<compile_context>
chip_gen: v7x
topology: tpu7x:2x2x1
jax: 0.10.2.dev20260603
libtpu: 0.0.44.dev20260713+nightly
codegen_flags: <defaults>
</compile_context>

<pallas_src>
import functools

import jax
import jax.numpy as jnp
from jax import lax
from jax.experimental import pallas as pl
from jax.experimental.pallas import tpu as pltpu
from jax.experimental.pallas import tpu_sc as plsc


@functools.lru_cache(maxsize=None)
def _make_gather(n_tok, s, d):
    info = plsc.get_sparse_core_info()
    num_cores, num_subcores = info.num_cores, info.num_subcores
    nw = num_cores * num_subcores
    chunks = n_tok // nw
    assert chunks * nw == n_tok
    assert chunks % 2 == 0 and chunks >= 4
    s_pad = ((s + 7) // 8) * 8
    assert s_pad <= 128
    s_main = (s // 8) * 8
    s_tail = s - s_main
    idx_minor = ((s_pad + 15) // 16) * 16

    mesh = plsc.VectorSubcoreMesh(core_axis_name="c", subcore_axis_name="s")

    @functools.partial(
        pl.kernel,
        mesh=mesh,
        out_type=jax.ShapeDtypeStruct((n_tok, s, d), jnp.float32),
        scratch_types=[
            pltpu.VMEM((chunks, idx_minor), jnp.int32),
            pltpu.VMEM((2, s_pad, d), jnp.float32),
            pltpu.SemaphoreType.DMA,
            pltpu.SemaphoreType.DMA,
            pltpu.SemaphoreType.DMA,
            pltpu.SemaphoreType.DMA,
        ],
    )
    def k(table_hbm, x_hbm, out_hbm, idx_v, rows_v, g0, g1, o0, o1):
        wid = lax.axis_index("s") * num_cores + lax.axis_index("c")
        base_tok = wid * chunks
        pltpu.sync_copy(x_hbm.at[pl.ds(base_tok, chunks)], idx_v)

        gsem = (g0, g1)
        osem = (o0, o1)

        def gather(c, b, sem):
            return pltpu.make_async_copy(
                table_hbm.at[idx_v.at[c, pl.ds(0, s_pad)]], rows_v.at[b], sem)

        def out_parts(c, b, sem):
            dst = out_hbm.at[base_tok + c]
            parts = [pltpu.make_async_copy(
                rows_v.at[b, pl.ds(0, s_main)], dst.at[pl.ds(0, s_main)], sem)]
            if s_tail:
                parts.append(pltpu.make_async_copy(
                    rows_v.at[b, pl.ds(s_main, s_tail)],
                    dst.at[pl.ds(s_main, s_tail)], sem))
            return parts

        def out_start(c, b, sem):
            for p in out_parts(c, b, sem):
                p.start()

        def out_wait(c, b, sem):
            for p in out_parts(c, b, sem):
                p.wait()

        gather(0, 0, g0).start()
        gather(0, 0, g0).wait()
        out_start(0, 0, o0)
        gather(1, 1, g1).start()

        def step(c, b):
            gather(c, b, gsem[b]).wait()
            out_start(c, b, osem[b])
            out_wait(c - 1, b ^ 1, osem[b ^ 1])
            gather(c + 1, b ^ 1, gsem[b ^ 1]).start()

        def body(g, carry):
            step(2 * g + 1, 1)
            step(2 * g + 2, 0)
            return carry

        lax.fori_loop(0, (chunks - 2) // 2, body, 0)

        last = chunks - 1
        gather(last, 1, g1).wait()
        out_start(last, 1, o1)
        out_wait(last - 1, 0, o0)
        out_wait(last, 1, o1)

    return k


def kernel(x, table):
    n_tok, s = x.shape
    d = table.shape[1]
    idx_minor = ((((s + 7) // 8) * 8 + 15) // 16) * 16
    xp = jnp.pad(x.astype(jnp.int32), ((0, 0), (0, idx_minor - s)))
    return _make_gather(n_tok, s, d)(table, xp)

# --- scband reference (transcript-rebuilt; emitter-appended) ---
"""Pipeline reference for scband-cam-embedding-27839978013066 (READ-ONLY COPY).

The authoritative reference and input builder live on the scoring server;
editing this copy changes nothing except your own understanding.
"""

import jax, jax.numpy as jnp
import numpy as np

NC = 1000000
EMBED_DIM = 256

def setup_inputs(seed: int = 0) -> dict:
    key = jax.random.key(seed)
    k1, k2 = jax.random.split(key)
    x = jax.random.randint(k1, (4096, 50), 0, NC, dtype=jnp.int64) if jax.config.read('jax_enable_x64') else jax.random.randint(k1, (4096, 50), 0, NC, dtype=jnp.int32)
    table = jax.random.normal(k2, (NC, EMBED_DIM), dtype=jnp.float32)
    return {"x": x, "table": table}

def reference(x, table):
    # nn.Embedding forward: gather rows of the embedding table
    return jnp.take(table, x, axis=0)

if __name__ == "__main__":
    import jax
    _d = setup_inputs()
    print(jax.jit(kernel)(*tuple(_d.values())))

</pallas_src>

<mosaic_0001>
#map = affine_map<(d0, d1) -> (0, 0)>
#map1 = affine_map<(d0, d1) -> (0, 0, 0)>
module attributes {stable_mosaic.version = 14 : i64} {
  func.func @k(%arg0: i32, %arg1: i32, %arg2: memref<1000000x256xf32, #tpu.memory_space<hbm>>, %arg3: memref<4096x64xi32, #tpu.memory_space<hbm>>, %arg4: memref<4096x50x256xf32, #tpu.memory_space<hbm>>, %arg5: memref<128x64xi32, #tpu.memory_space<vmem>>, %arg6: memref<2x56x256xf32, #tpu.memory_space<vmem>>, %arg7: memref<!tpu.dma_semaphore, #tpu.memory_space<semaphore_mem>>, %arg8: memref<!tpu.dma_semaphore, #tpu.memory_space<semaphore_mem>>, %arg9: memref<!tpu.dma_semaphore, #tpu.memory_space<semaphore_mem>>, %arg10: memref<!tpu.dma_semaphore, #tpu.memory_space<semaphore_mem>>) attributes {dimension_semantics = [#tpu.dimension_semantics<core_parallel>, #tpu.dimension_semantics<subcore_parallel>], iteration_bounds = array<i64: 2, 16>, scalar_prefetch = 0 : i64, scratch_operands = 6 : i64, tpu.core_type = #tpu.core_type<sc_vector_subcore>, window_params = [{transform_indices = #map}, {transform_indices = #map}, {transform_indices = #map1}]} {
    %mul3A = arith.constant 2 : i32
    %mul3A_0 = arith.muli %arg1, %mul3A : i32
    %add3A = arith.addi %mul3A_0, %arg0 : i32
    %mul3A_1 = arith.constant 128 : i32
    %mul3A_2 = arith.muli %add3A, %mul3A_1 : i32
    "tpu.region"() ({
      %run_scoped3A = tpu.sem_alloc : memref<!tpu.dma_semaphore, #tpu.memory_space<semaphore_mem>>
      %dma_start3A_246 = arith.constant 0 : i32
      %dma_start3A_247 = tpu.memref_slice %arg3[%mul3A_2, %dma_start3A_246] : memref<4096x64xi32, #tpu.memory_space<hbm>> -> memref<128x64xi32, #tpu.memory_space<hbm>>
      %dma_start3A_248 = arith.constant 0 : i32
      %dma_start3A_249 = tpu.memref_slice %arg3[%mul3A_2, %dma_start3A_248] : memref<4096x64xi32, #tpu.memory_space<hbm>> -> memref<128x64xi32, #tpu.memory_space<hbm>>
      tpu.enqueue_dma source(%dma_start3A_249 : memref<128x64xi32, #tpu.memory_space<hbm>>) target(%arg5 : memref<128x64xi32, #tpu.memory_space<vmem>>) target_semaphore(%run_scoped3A : memref<!tpu.dma_semaphore, #tpu.memory_space<semaphore_mem>>)
      %dma_wait3A_250 = arith.constant 0 : i32
      %dma_wait3A_251 = tpu.memref_slice %arg3[%mul3A_2, %dma_wait3A_250] : memref<4096x64xi32, #tpu.memory_space<hbm>> -> memref<128x64xi32, #tpu.memory_space<hbm>>
      %dma_wait3A_252 = arith.constant 0 : i32
      %dma_wait3A_253 = tpu.memref_slice %arg3[%mul3A_2, %dma_wait3A_252] : memref<4096x64xi32, #tpu.memory_space<hbm>> -> memref<128x64xi32, #tpu.memory_space<hbm>>
      tpu.wait_dma2 semaphore(%run_scoped3A : memref<!tpu.dma_semaphore, #tpu.memory_space<semaphore_mem>>) src(%dma_wait3A_253 : memref<128x64xi32, #tpu.memory_space<hbm>>) dst(%arg5 : memref<128x64xi32, #tpu.memory_space<vmem>>)
      tpu.yield
    }) : () -> ()
    %dma_start3A = arith.constant 0 : i32
    %dma_start3A_3 = arith.constant 0 : i32
    %dma_start3A_4 = arith.constant 0 : i32
    %dma_start3A_5 = arith.constant 0 : i32
    %dma_start3A_6 = tpu.memref_slice %arg6[%dma_start3A_3, %dma_start3A_4, %dma_start3A_5] : memref<2x56x256xf32, #tpu.memory_space<vmem>> -> memref<1x56x256xf32, #tpu.memory_space<vmem>>
    %dma_start3A_7 = tpu.memref_squeeze %dma_start3A_6 : memref<1x56x256xf32, #tpu.memory_space<vmem>> -> memref<56x256xf32, #tpu.memory_space<vmem>>
    %dma_start3A_8 = arith.constant 0 : i32
    %dma_start3A_9 = tpu.memref_slice %arg5[%dma_start3A, %dma_start3A_8] : memref<128x64xi32, #tpu.memory_space<vmem>> -> memref<1x56xi32, #tpu.memory_space<vmem>>
    %dma_start3A_10 = tpu.memref_squeeze %dma_start3A_9 : memref<1x56xi32, #tpu.memory_space<vmem>> -> memref<56xi32, #tpu.memory_space<vmem>>
    %dma_start3A_11 = arith.constant 0 : i32
    %dma_start3A_12 = arith.constant 0 : i32
    %dma_start3A_13 = tpu.memref_slice %arg2[%dma_start3A_11, %dma_start3A_12] : memref<1000000x256xf32, #tpu.memory_space<hbm>> -> memref<1000000x256xf32, #tpu.memory_space<hbm>>
    tpu.enqueue_indirect_dma source(%dma_start3A_13 : memref<1000000x256xf32, #tpu.memory_space<hbm>>) target(%dma_start3A_7 : memref<56x256xf32, #tpu.memory_space<vmem>>) offsets(%dma_start3A_10 : memref<56xi32, #tpu.memory_space<vmem>>) semaphore(%arg7 : memref<!tpu.dma_semaphore, #tpu.memory_space<semaphore_mem>>)
    %dma_wait3A = arith.constant 0 : i32
    %dma_wait3A_14 = arith.constant 0 : i32
    %dma_wait3A_15 = arith.constant 0 : i32
    %dma_wait3A_16 = arith.constant 0 : i32
    %dma_wait3A_17 = tpu.memref_slice %arg6[%dma_wait3A_14, %dma_wait3A_15, %dma_wait3A_16] : memref<2x56x256xf32, #tpu.memory_space<vmem>> -> memref<1x56x256xf32, #tpu.memory_space<vmem>>
    %dma_wait3A_18 = tpu.memref_squeeze %dma_wait3A_17 : memref<1x56x256xf32, #tpu.memory_space<vmem>> -> memref<56x256xf32, #tpu.memory_space<vmem>>
    %dma_wait3A_19 = arith.constant 0 : i32
    %dma_wait3A_20 = tpu.memref_slice %arg5[%dma_wait3A, %dma_wait3A_19] : memref<128x64xi32, #tpu.memory_space<vmem>> -> memref<1x56xi32, #tpu.memory_space<vmem>>
    %dma_wait3A_21 = tpu.memref_squeeze %dma_wait3A_20 : memref<1x56xi32, #tpu.memory_space<vmem>> -> memref<56xi32, #tpu.memory_space<vmem>>
    %dma_wait3A_22 = arith.constant 0 : i32
    %dma_wait3A_23 = arith.constant 0 : i32
    %dma_wait3A_24 = tpu.memref_slice %arg2[%dma_wait3A_22, %dma_wait3A_23] : memref<1000000x256xf32, #tpu.memory_space<hbm>> -> memref<1000000x256xf32, #tpu.memory_space<hbm>>
    tpu.wait_indirect_dma semaphore(%arg7 : memref<!tpu.dma_semaphore, #tpu.memory_space<semaphore_mem>>) src(%dma_wait3A_24 : memref<1000000x256xf32, #tpu.memory_space<hbm>>) dst(%dma_wait3A_18 : memref<56x256xf32, #tpu.memory_space<vmem>>)
    %add3A_25 = arith.constant 0 : i32
    %add3A_26 = arith.addi %mul3A_2, %add3A_25 : i32
    %dma_start3A_27 = arith.constant 0 : i32
    %dma_start3A_28 = arith.constant 0 : i32
    %dma_start3A_29 = arith.constant 0 : i32
    %dma_start3A_30 = tpu.memref_slice %arg6[%dma_start3A_27, %dma_start3A_28, %dma_start3A_29] : memref<2x56x256xf32, #tpu.memory_space<vmem>> -> memref<1x48x256xf32, #tpu.memory_space<vmem>>
    %dma_start3A_31 = tpu.memref_squeeze %dma_start3A_30 : memref<1x48x256xf32, #tpu.memory_space<vmem>> -> memref<48x256xf32, #tpu.memory_space<vmem>>
    %dma_start3A_32 = arith.constant 0 : i32
    %dma_start3A_33 = arith.constant 0 : i32
    %dma_start3A_34 = tpu.memref_slice %arg4[%add3A_26, %dma_start3A_32, %dma_start3A_33] : memref<4096x50x256xf32, #tpu.memory_space<hbm>> -> memref<1x50x256xf32, #tpu.memory_space<hbm>>
    %dma_start3A_35 = tpu.memref_squeeze %dma_start3A_34 : memref<1x50x256xf32, #tpu.memory_space<hbm>> -> memref<50x256xf32, #tpu.memory_space<hbm>>
    %dma_start3A_36 = arith.constant 0 : i32
    %dma_start3A_37 = arith.constant 0 : i32
    %dma_start3A_38 = tpu.memref_slice %dma_start3A_35[%dma_start3A_36, %dma_start3A_37] : memref<50x256xf32, #tpu.memory_space<hbm>> -> memref<48x256xf32, #tpu.memory_space<hbm>>
    %dma_start3A_39 = arith.constant 0 : i32
    %dma_start3A_40 = arith.constant 0 : i32
    %dma_start3A_41 = tpu.memref_slice %arg4[%add3A_26, %dma_start3A_39, %dma_start3A_40] : memref<4096x50x256xf32, #tpu.memory_space<hbm>> -> memref<1x50x256xf32, #tpu.memory_space<hbm>>
    %dma_start3A_42 = tpu.memref_squeeze %dma_start3A_41 : memref<1x50x256xf32, #tpu.memory_space<hbm>> -> memref<50x256xf32, #tpu.memory_space<hbm>>
    %dma_start3A_43 = arith.constant 0 : i32
    %dma_start3A_44 = arith.constant 0 : i32
    %dma_start3A_45 = tpu.memref_slice %dma_start3A_42[%dma_start3A_43, %dma_start3A_44] : memref<50x256xf32, #tpu.memory_space<hbm>> -> memref<48x256xf32, #tpu.memory_space<hbm>>
    %dma_start3A_46 = arith.constant 0 : i32
    %dma_start3A_47 = arith.constant 0 : i32
    %dma_start3A_48 = tpu.memref_slice %arg6[%dma_start3A_27, %dma_start3A_46, %dma_start3A_47] : memref<2x56x256xf32, #tpu.memory_space<vmem>> -> memref<1x48x256xf32, #tpu.memory_space<vmem>>
    %dma_start3A_49 = tpu.memref_squeeze %dma_start3A_48 : memref<1x48x256xf32, #tpu.memory_space<vmem>> -> memref<48x256xf32, #tpu.memory_space<vmem>>
    tpu.enqueue_dma source(%dma_start3A_49 : memref<48x256xf32, #tpu.memory_space<vmem>>) target(%dma_start3A_45 : memref<48x256xf32, #tpu.memory_space<hbm>>) target_semaphore(%arg9 : memref<!tpu.dma_semaphore, #tpu.memory_space<semaphore_mem>>)
    %dma_start3A_50 = arith.constant 0 : i32
    %dma_start3A_51 = arith.constant 48 : i32
    %dma_start3A_52 = arith.constant 0 : i32
    %dma_start3A_53 = tpu.memref_slice %arg6[%dma_start3A_50, %dma_start3A_51, %dma_start3A_52] : memref<2x56x256xf32, #tpu.memory_space<vmem>> -> memref<1x2x256xf32, #tpu.memory_space<vmem>>
    %dma_start3A_54 = tpu.memref_squeeze %dma_start3A_53 : memref<1x2x256xf32, #tpu.memory_space<vmem>> -> memref<2x256xf32, #tpu.memory_space<vmem>>
    %dma_start3A_55 = arith.constant 0 : i32
    %dma_start3A_56 = arith.constant 0 : i32
    %dma_start3A_57 = tpu.memref_slice %arg4[%add3A_26, %dma_start3A_55, %dma_start3A_56] : memref<4096x50x256xf32, #tpu.memory_space<hbm>> -> memref<1x50x256xf32, #tpu.memory_space<hbm>>
    %dma_start3A_58 = tpu.memref_squeeze %dma_start3A_57 : memref<1x50x256xf32, #tpu.memory_space<hbm>> -> memref<50x256xf32, #tpu.memory_space<hbm>>
    %dma_start3A_59 = arith.constant 48 : i32
    %dma_start3A_60 = arith.constant 0 : i32
    %dma_start3A_61 = tpu.memref_slice %dma_start3A_58[%dma_start3A_59, %dma_start3A_60] : memref<50x256xf32, #tpu.memory_space<hbm>> -> memref<2x256xf32, #tpu.memory_space<hbm>>
    %dma_start3A_62 = arith.constant 0 : i32
    %dma_start3A_63 = arith.constant 0 : i32
    %dma_start3A_64 = tpu.memref_slice %arg4[%add3A_26, %dma_start3A_62, %dma_start3A_63] : memref<4096x50x256xf32, #tpu.memory_space<hbm>> -> memref<1x50x256xf32, #tpu.memory_space<hbm>>
    %dma_start3A_65 = tpu.memref_squeeze %dma_start3A_64 : memref<1x50x256xf32, #tpu.memory_space<hbm>> -> memref<50x256xf32, #tpu.memory_space<hbm>>
    %dma_start3A_66 = arith.constant 48 : i32
    %dma_start3A_67 = arith.constant 0 : i32
    %dma_start3A_68 = tpu.memref_slice %dma_start3A_65[%dma_start3A_66, %dma_start3A_67] : memref<50x256xf32, #tpu.memory_space<hbm>> -> memref<2x256xf32, #tpu.memory_space<hbm>>
    %dma_start3A_69 = arith.constant 48 : i32
    %dma_start3A_70 = arith.constant 0 : i32
    %dma_start3A_71 = tpu.memref_slice %arg6[%dma_start3A_50, %dma_start3A_69, %dma_start3A_70] : memref<2x56x256xf32, #tpu.memory_space<vmem>> -> memref<1x2x256xf32, #tpu.memory_space<vmem>>
    %dma_start3A_72 = tpu.memref_squeeze %dma_start3A_71 : memref<1x2x256xf32, #tpu.memory_space<vmem>> -> memref<2x256xf32, #tpu.memory_space<vmem>>
    tpu.enqueue_dma source(%dma_start3A_72 : memref<2x256xf32, #tpu.memory_space<vmem>>) target(%dma_start3A_68 : memref<2x256xf32, #tpu.memory_space<hbm>>) target_semaphore(%arg9 : memref<!tpu.dma_semaphore, #tpu.memory_space<semaphore_mem>>)
    %dma_start3A_73 = arith.constant 1 : i32
    %dma_start3A_74 = arith.constant 1 : i32
    %dma_start3A_75 = arith.constant 0 : i32
    %dma_start3A_76 = arith.constant 0 : i32
    %dma_start3A_77 = tpu.memref_slice %arg6[%dma_start3A_74, %dma_start3A_75, %dma_start3A_76] : memref<2x56x256xf32, #tpu.memory_space<vmem>> -> memref<1x56x256xf32, #tpu.memory_space<vmem>>
    %dma_start3A_78 = tpu.memref_squeeze %dma_start3A_77 : memref<1x56x256xf32, #tpu.memory_space<vmem>> -> memref<56x256xf32, #tpu.memory_space<vmem>>
    %dma_start3A_79 = arith.constant 0 : i32
    %dma_start3A_80 = tpu.memref_slice %arg5[%dma_start3A_73, %dma_start3A_79] : memref<128x64xi32, #tpu.memory_space<vmem>> -> memref<1x56xi32, #tpu.memory_space<vmem>>
    %dma_start3A_81 = tpu.memref_squeeze %dma_start3A_80 : memref<1x56xi32, #tpu.memory_space<vmem>> -> memref<56xi32, #tpu.memory_space<vmem>>
    %dma_start3A_82 = arith.constant 0 : i32
    %dma_start3A_83 = arith.constant 0 : i32
    %dma_start3A_84 = tpu.memref_slice %arg2[%dma_start3A_82, %dma_start3A_83] : memref<1000000x256xf32, #tpu.memory_space<hbm>> -> memref<1000000x256xf32, #tpu.memory_space<hbm>>
    tpu.enqueue_indirect_dma source(%dma_start3A_84 : memref<1000000x256xf32, #tpu.memory_space<hbm>>) target(%dma_start3A_78 : memref<56x256xf32, #tpu.memory_space<vmem>>) offsets(%dma_start3A_81 : memref<56xi32, #tpu.memory_space<vmem>>) semaphore(%arg8 : memref<!tpu.dma_semaphore, #tpu.memory_space<semaphore_mem>>)
    %scan3A = arith.constant 0 : i32
    %scan3A_85 = arith.constant 0 : i32
    %scan3A_86 = arith.constant 63 : i32
    %scan3A_87 = arith.addi %scan3A_85, %scan3A_86 : i32
    %scan3A_88 = arith.constant 1 : i32
    scf.for %scan3A_246 = %scan3A_85 to %scan3A_87 step %scan3A_88  : i32 {
      %mul3A_247 = arith.constant 2 : i32
      %mul3A_248 = arith.muli %mul3A_247, %scan3A_246 : i32
      %add3A_249 = arith.constant 1 : i32
      %add3A_250 = arith.addi %mul3A_248, %add3A_249 : i32
      %dma_wait3A_251 = arith.constant 1 : i32
      %dma_wait3A_252 = arith.constant 0 : i32
      %dma_wait3A_253 = arith.constant 0 : i32
      %dma_wait3A_254 = tpu.memref_slice %arg6[%dma_wait3A_251, %dma_wait3A_252, %dma_wait3A_253] : memref<2x56x256xf32, #tpu.memory_space<vmem>> -> memref<1x56x256xf32, #tpu.memory_space<vmem>>
      %dma_wait3A_255 = tpu.memref_squeeze %dma_wait3A_254 : memref<1x56x256xf32, #tpu.memory_space<vmem>> -> memref<56x256xf32, #tpu.memory_space<vmem>>
      %dma_wait3A_256 = arith.constant 0 : i32
      %dma_wait3A_257 = tpu.memref_slice %arg5[%add3A_250, %dma_wait3A_256] : memref<128x64xi32, #tpu.memory_space<vmem>> -> memref<1x56xi32, #tpu.memory_space<vmem>>
      %dma_wait3A_258 = tpu.memref_squeeze %dma_wait3A_257 : memref<1x56xi32, #tpu.memory_space<vmem>> -> memref<56xi32, #tpu.memory_space<vmem>>
      %dma_wait3A_259 = arith.constant 0 : i32
      %dma_wait3A_260 = arith.constant 0 : i32
      %dma_wait3A_261 = tpu.memref_slice %arg2[%dma_wait3A_259, %dma_wait3A_260] : memref<1000000x256xf32, #tpu.memory_space<hbm>> -> memref<1000000x256xf32, #tpu.memory_space<hbm>>
      tpu.wait_indirect_dma semaphore(%arg8 : memref<!tpu.dma_semaphore, #tpu.memory_space<semaphore_mem>>) src(%dma_wait3A_261 : memref<1000000x256xf32, #tpu.memory_space<hbm>>) dst(%dma_wait3A_255 : memref<56x256xf32, #tpu.memory_space<vmem>>)
      %add3A_262 = arith.addi %mul3A_2, %add3A_250 : i32
      %dma_start3A_263 = arith.constant 1 : i32
      %dma_start3A_264 = arith.constant 0 : i32
      %dma_start3A_265 = arith.constant 0 : i32
      %dma_start3A_266 = tpu.memref_slice %arg6[%dma_start3A_263, %dma_start3A_264, %dma_start3A_265] : memref<2x56x256xf32, #tpu.memory_space<vmem>> -> memref<1x48x256xf32, #tpu.memory_space<vmem>>
      %dma_start3A_267 = tpu.memref_squeeze %dma_start3A_266 : memref<1x48x256xf32, #tpu.memory_space<vmem>> -> memref<48x256xf32, #tpu.memory_space<vmem>>
      %dma_start3A_268 = arith.constant 0 : i32
      %dma_start3A_269 = arith.constant 0 : i32
      %dma_start3A_270 = tpu.memref_slice %arg4[%add3A_262, %dma_start3A_268, %dma_start3A_269] : memref<4096x50x256xf32, #tpu.memory_space<hbm>> -> memref<1x50x256xf32, #tpu.memory_space<hbm>>
      %dma_start3A_271 = tpu.memref_squeeze %dma_start3A_270 : memref<1x50x256xf32, #tpu.memory_space<hbm>> -> memref<50x256xf32, #tpu.memory_space<hbm>>
      %dma_start3A_272 = arith.constant 0 : i32
      %dma_start3A_273 = arith.constant 0 : i32
      %dma_start3A_274 = tpu.memref_slice %dma_start3A_271[%dma_start3A_272, %dma_start3A_273] : memref<50x256xf32, #tpu.memory_space<hbm>> -> memref<48x256xf32, #tpu.memory_space<hbm>>
      %dma_start3A_275 = arith.constant 0 : i32
      %dma_start3A_276 = arith.constant 0 : i32
      %dma_start3A_277 = tpu.memref_slice %arg4[%add3A_262, %dma_start3A_275, %dma_start3A_276] : memref<4096x50x256xf32, #tpu.memory_space<hbm>> -> memref<1x50x256xf32, #tpu.memory_space<hbm>>
      %dma_start3A_278 = tpu.memref_squeeze %dma_start3A_277 : memref<1x50x256xf32, #tpu.memory_space<hbm>> -> memref<50x256xf32, #tpu.memory_space<hbm>>
      %dma_start3A_279 = arith.constant 0 : i32
      %dma_start3A_280 = arith.constant 0 : i32
      %dma_start3A_281 = tpu.memref_slice %dma_start3A_278[%dma_start3A_279, %dma_start3A_280] : memref<50x256xf32, #tpu.memory_space<hbm>> -> memref<48x256xf32, #tpu.memory_space<hbm>>
      %dma_start3A_282 = arith.constant 0 : i32
      %dma_start3A_283 = arith.constant 0 : i32
      %dma_start3A_284 = tpu.memref_slice %arg6[%dma_start3A_263, %dma_start3A_282, %dma_start3A_283] : memref<2x56x256xf32, #tpu.memory_space<vmem>> -> memref<1x48x256xf32, #tpu.memory_space<vmem>>
      %dma_start3A_285 = tpu.memref_squeeze %dma_start3A_284 : memref<1x48x256xf32, #tpu.memory_space<vmem>> -> memref<48x256xf32, #tpu.memory_space<vmem>>
      tpu.enqueue_dma source(%dma_start3A_285 : memref<48x256xf32, #tpu.memory_space<vmem>>) target(%dma_start3A_281 : memref<48x256xf32, #tpu.memory_space<hbm>>) target_semaphore(%arg10 : memref<!tpu.dma_semaphore, #tpu.memory_space<semaphore_mem>>)
      %dma_start3A_286 = arith.constant 1 : i32
      %dma_start3A_287 = arith.constant 48 : i32
      %dma_start3A_288 = arith.constant 0 : i32
      %dma_start3A_289 = tpu.memref_slice %arg6[%dma_start3A_286, %dma_start3A_287, %dma_start3A_288] : memref<2x56x256xf32, #tpu.memory_space<vmem>> -> memref<1x2x256xf32, #tpu.memory_space<vmem>>
      %dma_start3A_290 = tpu.memref_squeeze %dma_start3A_289 : memref<1x2x256xf32, #tpu.memory_space<vmem>> -> memref<2x256xf32, #tpu.memory_space<vmem>>
      %dma_start3A_291 = arith.constant 0 : i32
      %dma_start3A_292 = arith.constant 0 : i32
      %dma_start3A_293 = tpu.memref_slice %arg4[%add3A_262, %dma_start3A_291, %dma_start3A_292] : memref<4096x50x256xf32, #tpu.memory_space<hbm>> -> memref<1x50x256xf32, #tpu.memory_space<hbm>>
      %dma_start3A_294 = tpu.memref_squeeze %dma_start3A_293 : memref<1x50x256xf32, #tpu.memory_space<hbm>> -> memref<50x256xf32, #tpu.memory_space<hbm>>
      %dma_start3A_295 = arith.constant 48 : i32
      %dma_start3A_296 = arith.constant 0 : i32
      %dma_start3A_297 = tpu.memref_slice %dma_start3A_294[%dma_start3A_295, %dma_start3A_296] : memref<50x256xf32, #tpu.memory_space<hbm>> -> memref<2x256xf32, #tpu.memory_space<hbm>>
      %dma_start3A_298 = arith.constant 0 : i32
      %dma_start3A_299 = arith.constant 0 : i32
      %dma_start3A_300 = tpu.memref_slice %arg4[%add3A_262, %dma_start3A_298, %dma_start3A_299] : memref<4096x50x256xf32, #tpu.memory_space<hbm>> -> memref<1x50x256xf32, #tpu.memory_space<hbm>>
      %dma_start3A_301 = tpu.memref_squeeze %dma_start3A_300 : memref<1x50x256xf32, #tpu.memory_space<hbm>> -> memref<50x256xf32, #tpu.memory_space<hbm>>
      %dma_start3A_302 = arith.constant 48 : i32
      %dma_start3A_303 = arith.constant 0 : i32
      %dma_start3A_304 = tpu.memref_slice %dma_start3A_301[%dma_start3A_302, %dma_start3A_303] : memref<50x256xf32, #tpu.memory_space<hbm>> -> memref<2x256xf32, #tpu.memory_space<hbm>>
      %dma_start3A_305 = arith.constant 48 : i32
      %dma_start3A_306 = arith.constant 0 : i32
      %dma_start3A_307 = tpu.memref_slice %arg6[%dma_start3A_286, %dma_start3A_305, %dma_start3A_306] : memref<2x56x256xf32, #tpu.memory_space<vmem>> -> memref<1x2x256xf32, #tpu.memory_space<vmem>>
      %dma_start3A_308 = tpu.memref_squeeze %dma_start3A_307 : memref<1x2x256xf32, #tpu.memory_space<vmem>> -> memref<2x256xf32, #tpu.memory_space<vmem>>
      tpu.enqueue_dma source(%dma_start3A_308 : memref<2x256xf32, #tpu.memory_space<vmem>>) target(%dma_start3A_304 : memref<2x256xf32, #tpu.memory_space<hbm>>) target_semaphore(%arg10 : memref<!tpu.dma_semaphore, #tpu.memory_space<semaphore_mem>>)
      %sub3A = arith.constant 1 : i32
      %sub3A_309 = arith.subi %add3A_250, %sub3A : i32
      %add3A_310 = arith.addi %mul3A_2, %sub3A_309 : i32
      %dma_wait3A_311 = arith.constant 0 : i32
      %dma_wait3A_312 = arith.constant 0 : i32
      %dma_wait3A_313 = arith.constant 0 : i32
      %dma_wait3A_314 = tpu.memref_slice %arg6[%dma_wait3A_311, %dma_wait3A_312, %dma_wait3A_313] : memref<2x56x256xf32, #tpu.memory_space<vmem>> -> memref<1x48x256xf32, #tpu.memory_space<vmem>>
      %dma_wait3A_315 = tpu.memref_squeeze %dma_wait3A_314 : memref<1x48x256xf32, #tpu.memory_space<vmem>> -> memref<48x256xf32, #tpu.memory_space<vmem>>
      %dma_wait3A_316 = arith.constant 0 : i32
      %dma_wait3A_317 = arith.constant 0 : i32
      %dma_wait3A_318 = tpu.memref_slice %arg4[%add3A_310, %dma_wait3A_316, %dma_wait3A_317] : memref<4096x50x256xf32, #tpu.memory_space<hbm>> -> memref<1x50x256xf32, #tpu.memory_space<hbm>>
      %dma_wait3A_319 = tpu.memref_squeeze %dma_wait3A_318 : memref<1x50x256xf32, #tpu.memory_space<hbm>> -> memref<50x256xf32, #tpu.memory_space<hbm>>
      %dma_wait3A_320 = arith.constant 0 : i32
      %dma_wait3A_321 = arith.constant 0 : i32
      %dma_wait3A_322 = tpu.memref_slice %dma_wait3A_319[%dma_wait3A_320, %dma_wait3A_321] : memref<50x256xf32, #tpu.memory_space<hbm>> -> memref<48x256xf32, #tpu.memory_space<hbm>>
      %dma_wait3A_323 = arith.constant 0 : i32
      %dma_wait3A_324 = arith.constant 0 : i32
      %dma_wait3A_325 = tpu.memref_slice %arg4[%add3A_310, %dma_wait3A_323, %dma_wait3A_324] : memref<4096x50x256xf32, #tpu.memory_space<hbm>> -> memref<1x50x256xf32, #tpu.memory_space<hbm>>
      %dma_wait3A_326 = tpu.memref_squeeze %dma_wait3A_325 : memref<1x50x256xf32, #tpu.memory_space<hbm>> -> memref<50x256xf32, #tpu.memory_space<hbm>>
      %dma_wait3A_327 = arith.constant 0 : i32
      %dma_wait3A_328 = arith.constant 0 : i32
      %dma_wait3A_329 = tpu.memref_slice %dma_wait3A_326[%dma_wait3A_327, %dma_wait3A_328] : memref<50x256xf32, #tpu.memory_space<hbm>> -> memref<48x256xf32, #tpu.memory_space<hbm>>
      %dma_wait3A_330 = arith.constant 0 : i32
      %dma_wait3A_331 = arith.constant 0 : i32
      %dma_wait3A_332 = tpu.memref_slice %arg6[%dma_wait3A_311, %dma_wait3A_330, %dma_wait3A_331] : memref<2x56x256xf32, #tpu.memory_space<vmem>> -> memref<1x48x256xf32, #tpu.memory_space<vmem>>
      %dma_wait3A_333 = tpu.memref_squeeze %dma_wait3A_332 : memref<1x48x256xf32, #tpu.memory_space<vmem>> -> memref<48x256xf32, #tpu.memory_space<vmem>>
      tpu.wait_dma2 semaphore(%arg9 : memref<!tpu.dma_semaphore, #tpu.memory_space<semaphore_mem>>) src(%dma_wait3A_333 : memref<48x256xf32, #tpu.memory_space<vmem>>) dst(%dma_wait3A_329 : memref<48x256xf32, #tpu.memory_space<hbm>>)
      %dma_wait3A_334 = arith.constant 0 : i32
      %dma_wait3A_335 = arith.constant 48 : i32
      %dma_wait3A_336 = arith.constant 0 : i32
      %dma_wait3A_337 = tpu.memref_slice %arg6[%dma_wait3A_334, %dma_wait3A_335, %dma_wait3A_336] : memref<2x56x256xf32, #tpu.memory_space<vmem>> -> memref<1x2x256xf32, #tpu.memory_space<vmem>>
      %dma_wait3A_338 = tpu.memref_squeeze %dma_wait3A_337 : memref<1x2x256xf32, #tpu.memory_space<vmem>> -> memref<2x256xf32, #tpu.memory_space<vmem>>
      %dma_wait3A_339 = arith.constant 0 : i32
      %dma_wait3A_340 = arith.constant 0 : i32
      %dma_wait3A_341 = tpu.memref_slice %arg4[%add3A_310, %dma_wait3A_339, %dma_wait3A_340] : memref<4096x50x256xf32, #tpu.memory_space<hbm>> -> memref<1x50x256xf32, #tpu.memory_space<hbm>>
      %dma_wait3A_342 = tpu.memref_squeeze %dma_wait3A_341 : memref<1x50x256xf32, #tpu.memory_space<hbm>> -> memref<50x256xf32, #tpu.memory_space<hbm>>
      %dma_wait3A_343 = arith.constant 48 : i32
      %dma_wait3A_344 = arith.constant 0 : i32
      %dma_wait3A_345 = tpu.memref_slice %dma_wait3A_342[%dma_wait3A_343, %dma_wait3A_344] : memref<50x256xf32, #tpu.memory_space<hbm>> -> memref<2x256xf32, #tpu.memory_space<hbm>>
      %dma_wait3A_346 = arith.constant 0 : i32
      %dma_wait3A_347 = arith.constant 0 : i32
      %dma_wait3A_348 = tpu.memref_slice %arg4[%add3A_310, %dma_wait3A_346, %dma_wait3A_347] : memref<4096x50x256xf32, #tpu.memory_space<hbm>> -> memref<1x50x256xf32, #tpu.memory_space<hbm>>
      %dma_wait3A_349 = tpu.memref_squeeze %dma_wait3A_348 : memref<1x50x256xf32, #tpu.memory_space<hbm>> -> memref<50x256xf32, #tpu.memory_space<hbm>>
      %dma_wait3A_350 = arith.constant 48 : i32
      %dma_wait3A_351 = arith.constant 0 : i32
      %dma_wait3A_352 = tpu.memref_slice %dma_wait3A_349[%dma_wait3A_350, %dma_wait3A_351] : memref<50x256xf32, #tpu.memory_space<hbm>> -> memref<2x256xf32, #tpu.memory_space<hbm>>
      %dma_wait3A_353 = arith.constant 48 : i32
      %dma_wait3A_354 = arith.constant 0 : i32
      %dma_wait3A_355 = tpu.memref_slice %arg6[%dma_wait3A_334, %dma_wait3A_353, %dma_wait3A_354] : memref<2x56x256xf32, #tpu.memory_space<vmem>> -> memref<1x2x256xf32, #tpu.memory_space<vmem>>
      %dma_wait3A_356 = tpu.memref_squeeze %dma_wait3A_355 : memref<1x2x256xf32, #tpu.memory_space<vmem>> -> memref<2x256xf32, #tpu.memory_space<vmem>>
      tpu.wait_dma2 semaphore(%arg9 : memref<!tpu.dma_semaphore, #tpu.memory_space<semaphore_mem>>) src(%dma_wait3A_356 : memref<2x256xf32, #tpu.memory_space<vmem>>) dst(%dma_wait3A_352 : memref<2x256xf32, #tpu.memory_space<hbm>>)
      %add3A_357 = arith.constant 1 : i32
      %add3A_358 = arith.addi %add3A_250, %add3A_357 : i32
      %dma_start3A_359 = arith.constant 0 : i32
      %dma_start3A_360 = arith.constant 0 : i32
      %dma_start3A_361 = arith.constant 0 : i32
      %dma_start3A_362 = tpu.memref_slice %arg6[%dma_start3A_359, %dma_start3A_360, %dma_start3A_361] : memref<2x56x256xf32, #tpu.memory_space<vmem>> -> memref<1x56x256xf32, #tpu.memory_space<vmem>>
      %dma_start3A_363 = tpu.memref_squeeze %dma_start3A_362 : memref<1x56x256xf32, #tpu.memory_space<vmem>> -> memref<56x256xf32, #tpu.memory_space<vmem>>
      %dma_start3A_364 = arith.constant 0 : i32
      %dma_start3A_365 = tpu.memref_slice %arg5[%add3A_358, %dma_start3A_364] : memref<128x64xi32, #tpu.memory_space<vmem>> -> memref<1x56xi32, #tpu.memory_space<vmem>>
      %dma_start3A_366 = tpu.memref_squeeze %dma_start3A_365 : memref<1x56xi32, #tpu.memory_space<vmem>> -> memref<56xi32, #tpu.memory_space<vmem>>
      %dma_start3A_367 = arith.constant 0 : i32
      %dma_start3A_368 = arith.constant 0 : i32
      %dma_start3A_369 = tpu.memref_slice %arg2[%dma_start3A_367, %dma_start3A_368] : memref<1000000x256xf32, #tpu.memory_space<hbm>> -> memref<1000000x256xf32, #tpu.memory_space<hbm>>
      tpu.enqueue_indirect_dma source(%dma_start3A_369 : memref<1000000x256xf32, #tpu.memory_space<hbm>>) target(%dma_start3A_363 : memref<56x256xf32, #tpu.memory_space<vmem>>) offsets(%dma_start3A_366 : memref<56xi32, #tpu.memory_space<vmem>>) semaphore(%arg7 : memref<!tpu.dma_semaphore, #tpu.memory_space<semaphore_mem>>)
      %mul3A_370 = arith.constant 2 : i32
      %mul3A_371 = arith.muli %mul3A_370, %scan3A_246 : i32
      %add3A_372 = arith.constant 2 : i32
      %add3A_373 = arith.addi %mul3A_371, %add3A_372 : i32
      %dma_wait3A_374 = arith.constant 0 : i32
      %dma_wait3A_375 = arith.constant 0 : i32
      %dma_wait3A_376 = arith.constant 0 : i32
      %dma_wait3A_377 = tpu.memref_slice %arg6[%dma_wait3A_374, %dma_wait3A_375, %dma_wait3A_376] : memref<2x56x256xf32, #tpu.memory_space<vmem>> -> memref<1x56x256xf32, #tpu.memory_space<vmem>>
      %dma_wait3A_378 = tpu.memref_squeeze %dma_wait3A_377 : memref<1x56x256xf32, #tpu.memory_space<vmem>> -> memref<56x256xf32, #tpu.memory_space<vmem>>
      %dma_wait3A_379 = arith.constant 0 : i32
      %dma_wait3A_380 = tpu.memref_slice %arg5[%add3A_373, %dma_wait3A_379] : memref<128x64xi32, #tpu.memory_space<vmem>> -> memref<1x56xi32, #tpu.memory_space<vmem>>
      %dma_wait3A_381 = tpu.memref_squeeze %dma_wait3A_380 : memref<1x56xi32, #tpu.memory_space<vmem>> -> memref<56xi32, #tpu.memory_space<vmem>>
      %dma_wait3A_382 = arith.constant 0 : i32
      %dma_wait3A_383 = arith.constant 0 : i32
      %dma_wait3A_384 = tpu.memref_slice %arg2[%dma_wait3A_382, %dma_wait3A_383] : memref<1000000x256xf32, #tpu.memory_space<hbm>> -> memref<1000000x256xf32, #tpu.memory_space<hbm>>
      tpu.wait_indirect_dma semaphore(%arg7 : memref<!tpu.dma_semaphore, #tpu.memory_space<semaphore_mem>>) src(%dma_wait3A_384 : memref<1000000x256xf32, #tpu.memory_space<hbm>>) dst(%dma_wait3A_378 : memref<56x256xf32, #tpu.memory_space<vmem>>)
      %add3A_385 = arith.addi %mul3A_2, %add3A_373 : i32
      %dma_start3A_386 = arith.constant 0 : i32
      %dma_start3A_387 = arith.constant 0 : i32
      %dma_start3A_388 = arith.constant 0 : i32
      %dma_start3A_389 = tpu.memref_slice %arg6[%dma_start3A_386, %dma_start3A_387, %dma_start3A_388] : memref<2x56x256xf32, #tpu.memory_space<vmem>> -> memref<1x48x256xf32, #tpu.memory_space<vmem>>
      %dma_start3A_390 = tpu.memref_squeeze %dma_start3A_389 : memref<1x48x256xf32, #tpu.memory_space<vmem>> -> memref<48x256xf32, #tpu.memory_space<vmem>>
      %dma_start3A_391 = arith.constant 0 : i32
      %dma_start3A_392 = arith.constant 0 : i32
      %dma_start3A_393 = tpu.memref_slice %arg4[%add3A_385, %dma_start3A_391, %dma_start3A_392] : memref<4096x50x256xf32, #tpu.memory_space<hbm>> -> memref<1x50x256xf32, #tpu.memory_space<hbm>>
      %dma_start3A_394 = tpu.memref_squeeze %dma_start3A_393 : memref<1x50x256xf32, #tpu.memory_space<hbm>> -> memref<50x256xf32, #tpu.memory_space<hbm>>
      %dma_start3A_395 = arith.constant 0 : i32
      %dma_start3A_396 = arith.constant 0 : i32
      %dma_start3A_397 = tpu.memref_slice %dma_start3A_394[%dma_start3A_395, %dma_start3A_396] : memref<50x256xf32, #tpu.memory_space<hbm>> -> memref<48x256xf32, #tpu.memory_space<hbm>>
      %dma_start3A_398 = arith.constant 0 : i32
      %dma_start3A_399 = arith.constant 0 : i32
      %dma_start3A_400 = tpu.memref_slice %arg4[%add3A_385, %dma_start3A_398, %dma_start3A_399] : memref<4096x50x256xf32, #tpu.memory_space<hbm>> -> memref<1x50x256xf32, #tpu.memory_space<hbm>>
      %dma_start3A_401 = tpu.memref_squeeze %dma_start3A_400 : memref<1x50x256xf32, #tpu.memory_space<hbm>> -> memref<50x256xf32, #tpu.memory_space<hbm>>
      %dma_start3A_402 = arith.constant 0 : i32
      %dma_start3A_403 = arith.constant 0 : i32
      %dma_start3A_404 = tpu.memref_slice %dma_start3A_401[%dma_start3A_402, %dma_start3A_403] : memref<50x256xf32, #tpu.memory_space<hbm>> -> memref<48x256xf32, #tpu.memory_space<hbm>>
      %dma_start3A_405 = arith.constant 0 : i32
      %dma_start3A_406 = arith.constant 0 : i32
      %dma_start3A_407 = tpu.memref_slice %arg6[%dma_start3A_386, %dma_start3A_405, %dma_start3A_406] : memref<2x56x256xf32, #tpu.memory_space<vmem>> -> memref<1x48x256xf32, #tpu.memory_space<vmem>>
      %dma_start3A_408 = tpu.memref_squeeze %dma_start3A_407 : memref<1x48x256xf32, #tpu.memory_space<vmem>> -> memref<48x256xf32, #tpu.memory_space<vmem>>
      tpu.enqueue_dma source(%dma_start3A_408 : memref<48x256xf32, #tpu.memory_space<vmem>>) target(%dma_start3A_404 : memref<48x256xf32, #tpu.memory_space<hbm>>) target_semaphore(%arg9 : memref<!tpu.dma_semaphore, #tpu.memory_space<semaphore_mem>>)
      %dma_start3A_409 = arith.constant 0 : i32
      %dma_start3A_410 = arith.constant 48 : i32
      %dma_start3A_411 = arith.constant 0 : i32
      %dma_start3A_412 = tpu.memref_slice %arg6[%dma_start3A_409, %dma_start3A_410, %dma_start3A_411] : memref<2x56x256xf32, #tpu.memory_space<vmem>> -> memref<1x2x256xf32, #tpu.memory_space<vmem>>
      %dma_start3A_413 = tpu.memref_squeeze %dma_start3A_412 : memref<1x2x256xf32, #tpu.memory_space<vmem>> -> memref<2x256xf32, #tpu.memory_space<vmem>>
      %dma_start3A_414 = arith.constant 0 : i32
      %dma_start3A_415 = arith.constant 0 : i32
      %dma_start3A_416 = tpu.memref_slice %arg4[%add3A_385, %dma_start3A_414, %dma_start3A_415] : memref<4096x50x256xf32, #tpu.memory_space<hbm>> -> memref<1x50x256xf32, #tpu.memory_space<hbm>>
      %dma_start3A_417 = tpu.memref_squeeze %dma_start3A_416 : memref<1x50x256xf32, #tpu.memory_space<hbm>> -> memref<50x256xf32, #tpu.memory_space<hbm>>
      %dma_start3A_418 = arith.constant 48 : i32
      %dma_start3A_419 = arith.constant 0 : i32
      %dma_start3A_420 = tpu.memref_slice %dma_start3A_417[%dma_start3A_418, %dma_start3A_419] : memref<50x256xf32, #tpu.memory_space<hbm>> -> memref<2x256xf32, #tpu.memory_space<hbm>>
      %dma_start3A_421 = arith.constant 0 : i32
      %dma_start3A_422 = arith.constant 0 : i32
      %dma_start3A_423 = tpu.memref_slice %arg4[%add3A_385, %dma_start3A_421, %dma_start3A_422] : memref<4096x50x256xf32, #tpu.memory_space<hbm>> -> memref<1x50x256xf32, #tpu.memory_space<hbm>>
      %dma_start3A_424 = tpu.memref_squeeze %dma_start3A_423 : memref<1x50x256xf32, #tpu.memory_space<hbm>> -> memref<50x256xf32, #tpu.memory_space<hbm>>
      %dma_start3A_425 = arith.constant 48 : i32
      %dma_start3A_426 = arith.constant 0 : i32
      %dma_start3A_427 = tpu.memref_slice %dma_start3A_424[%dma_start3A_425, %dma_start3A_426] : memref<50x256xf32, #tpu.memory_space<hbm>> -> memref<2x256xf32, #tpu.memory_space<hbm>>
      %dma_start3A_428 = arith.constant 48 : i32
      %dma_start3A_429 = arith.constant 0 : i32
      %dma_start3A_430 = tpu.memref_slice %arg6[%dma_start3A_409, %dma_start3A_428, %dma_start3A_429] : memref<2x56x256xf32, #tpu.memory_space<vmem>> -> memref<1x2x256xf32, #tpu.memory_space<vmem>>
      %dma_start3A_431 = tpu.memref_squeeze %dma_start3A_430 : memref<1x2x256xf32, #tpu.memory_space<vmem>> -> memref<2x256xf32, #tpu.memory_space<vmem>>
      tpu.enqueue_dma source(%dma_start3A_431 : memref<2x256xf32, #tpu.memory_space<vmem>>) target(%dma_start3A_427 : memref<2x256xf32, #tpu.memory_space<hbm>>) target_semaphore(%arg9 : memref<!tpu.dma_semaphore, #tpu.memory_space<semaphore_mem>>)
      %sub3A_432 = arith.constant 1 : i32
      %sub3A_433 = arith.subi %add3A_373, %sub3A_432 : i32
      %add3A_434 = arith.addi %mul3A_2, %sub3A_433 : i32
      %dma_wait3A_435 = arith.constant 1 : i32
      %dma_wait3A_436 = arith.constant 0 : i32
      %dma_wait3A_437 = arith.constant 0 : i32
      %dma_wait3A_438 = tpu.memref_slice %arg6[%dma_wait3A_435, %dma_wait3A_436, %dma_wait3A_437] : memref<2x56x256xf32, #tpu.memory_space<vmem>> -> memref<1x48x256xf32, #tpu.memory_space<vmem>>
      %dma_wait3A_439 = tpu.memref_squeeze %dma_wait3A_438 : memref<1x48x256xf32, #tpu.memory_space<vmem>> -> memref<48x256xf32, #tpu.memory_space<vmem>>
      %dma_wait3A_440 = arith.constant 0 : i32
      %dma_wait3A_441 = arith.constant 0 : i32
      %dma_wait3A_442 = tpu.memref_slice %arg4[%add3A_434, %dma_wait3A_440, %dma_wait3A_441] : memref<4096x50x256xf32, #tpu.memory_space<hbm>> -> memref<1x50x256xf32, #tpu.memory_space<hbm>>
      %dma_wait3A_443 = tpu.memref_squeeze %dma_wait3A_442 : memref<1x50x256xf32, #tpu.memory_space<hbm>> -> memref<50x256xf32, #tpu.memory_space<hbm>>
      %dma_wait3A_444 = arith.constant 0 : i32
      %dma_wait3A_445 = arith.constant 0 : i32
      %dma_wait3A_446 = tpu.memref_slice %dma_wait3A_443[%dma_wait3A_444, %dma_wait3A_445] : memref<50x256xf32, #tpu.memory_space<hbm>> -> memref<48x256xf32, #tpu.memory_space<hbm>>
      %dma_wait3A_447 = arith.constant 0 : i32
      %dma_wait3A_448 = arith.constant 0 : i32
      %dma_wait3A_449 = tpu.memref_slice %arg4[%add3A_434, %dma_wait3A_447, %dma_wait3A_448] : memref<4096x50x256xf32, #tpu.memory_space<hbm>> -> memref<1x50x256xf32, #tpu.memory_space<hbm>>
      %dma_wait3A_450 = tpu.memref_squeeze %dma_wait3A_449 : memref<1x50x256xf32, #tpu.memory_space<hbm>> -> memref<50x256xf32, #tpu.memory_space<hbm>>
      %dma_wait3A_451 = arith.constant 0 : i32
      %dma_wait3A_452 = arith.constant 0 : i32
      %dma_wait3A_453 = tpu.memref_slice %dma_wait3A_450[%dma_wait3A_451, %dma_wait3A_452] : memref<50x256xf32, #tpu.memory_space<hbm>> -> memref<48x256xf32, #tpu.memory_space<hbm>>
      %dma_wait3A_454 = arith.constant 0 : i32
      %dma_wait3A_455 = arith.constant 0 : i32
      %dma_wait3A_456 = tpu.memref_slice %arg6[%dma_wait3A_435, %dma_wait3A_454, %dma_wait3A_455] : memref<2x56x256xf32, #tpu.memory_space<vmem>> -> memref<1x48x256xf32, #tpu.memory_space<vmem>>
      %dma_wait3A_457 = tpu.memref_squeeze %dma_wait3A_456 : memref<1x48x256xf32, #tpu.memory_space<vmem>> -> memref<48x256xf32, #tpu.memory_space<vmem>>
      tpu.wait_dma2 semaphore(%arg10 : memref<!tpu.dma_semaphore, #tpu.memory_space<semaphore_mem>>) src(%dma_wait3A_457 : memref<48x256xf32, #tpu.memory_space<vmem>>) dst(%dma_wait3A_453 : memref<48x256xf32, #tpu.memory_space<hbm>>)
      %dma_wait3A_458 = arith.constant 1 : i32
      %dma_wait3A_459 = arith.constant 48 : i32
      %dma_wait3A_460 = arith.constant 0 : i32
      %dma_wait3A_461 = tpu.memref_slice %arg6[%dma_wait3A_458, %dma_wait3A_459, %dma_wait3A_460] : memref<2x56x256xf32, #tpu.memory_space<vmem>> -> memref<1x2x256xf32, #tpu.memory_space<vmem>>
      %dma_wait3A_462 = tpu.memref_squeeze %dma_wait3A_461 : memref<1x2x256xf32, #tpu.memory_space<vmem>> -> memref<2x256xf32, #tpu.memory_space<vmem>>
      %dma_wait3A_463 = arith.constant 0 : i32
      %dma_wait3A_464 = arith.constant 0 : i32
      %dma_wait3A_465 = tpu.memref_slice %arg4[%add3A_434, %dma_wait3A_463, %dma_wait3A_464] : memref<4096x50x256xf32, #tpu.memory_space<hbm>> -> memref<1x50x256xf32, #tpu.memory_space<hbm>>
      %dma_wait3A_466 = tpu.memref_squeeze %dma_wait3A_465 : memref<1x50x256xf32, #tpu.memory_space<hbm>> -> memref<50x256xf32, #tpu.memory_space<hbm>>
      %dma_wait3A_467 = arith.constant 48 : i32
      %dma_wait3A_468 = arith.constant 0 : i32
      %dma_wait3A_469 = tpu.memref_slice %dma_wait3A_466[%dma_wait3A_467, %dma_wait3A_468] : memref<50x256xf32, #tpu.memory_space<hbm>> -> memref<2x256xf32, #tpu.memory_space<hbm>>
      %dma_wait3A_470 = arith.constant 0 : i32
      %dma_wait3A_471 = arith.constant 0 : i32
      %dma_wait3A_472 = tpu.memref_slice %arg4[%add3A_434, %dma_wait3A_470, %dma_wait3A_471] : memref<4096x50x256xf32, #tpu.memory_space<hbm>> -> memref<1x50x256xf32, #tpu.memory_space<hbm>>
      %dma_wait3A_473 = tpu.memref_squeeze %dma_wait3A_472 : memref<1x50x256xf32, #tpu.memory_space<hbm>> -> memref<50x256xf32, #tpu.memory_space<hbm>>
      %dma_wait3A_474 = arith.constant 48 : i32
      %dma_wait3A_475 = arith.constant 0 : i32
      %dma_wait3A_476 = tpu.memref_slice %dma_wait3A_473[%dma_wait3A_474, %dma_wait3A_475] : memref<50x256xf32, #tpu.memory_space<hbm>> -> memref<2x256xf32, #tpu.memory_space<hbm>>
      %dma_wait3A_477 = arith.constant 48 : i32
      %dma_wait3A_478 = arith.constant 0 : i32
      %dma_wait3A_479 = tpu.memref_slice %arg6[%dma_wait3A_458, %dma_wait3A_477, %dma_wait3A_478] : memref<2x56x256xf32, #tpu.memory_space<vmem>> -> memref<1x2x256xf32, #tpu.memory_space<vmem>>
      %dma_wait3A_480 = tpu.memref_squeeze %dma_wait3A_479 : memref<1x2x256xf32, #tpu.memory_space<vmem>> -> memref<2x256xf32, #tpu.memory_space<vmem>>
      tpu.wait_dma2 semaphore(%arg10 : memref<!tpu.dma_semaphore, #tpu.memory_space<semaphore_mem>>) src(%dma_wait3A_480 : memref<2x256xf32, #tpu.memory_space<vmem>>) dst(%dma_wait3A_476 : memref<2x256xf32, #tpu.memory_space<hbm>>)
      %add3A_481 = arith.constant 1 : i32
      %add3A_482 = arith.addi %add3A_373, %add3A_481 : i32
      %dma_start3A_483 = arith.constant 1 : i32
      %dma_start3A_484 = arith.constant 0 : i32
      %dma_start3A_485 = arith.constant 0 : i32
      %dma_start3A_486 = tpu.memref_slice %arg6[%dma_start3A_483, %dma_start3A_484, %dma_start3A_485] : memref<2x56x256xf32, #tpu.memory_space<vmem>> -> memref<1x56x256xf32, #tpu.memory_space<vmem>>
      %dma_start3A_487 = tpu.memref_squeeze %dma_start3A_486 : memref<1x56x256xf32, #tpu.memory_space<vmem>> -> memref<56x256xf32, #tpu.memory_space<vmem>>
      %dma_start3A_488 = arith.constant 0 : i32
      %dma_start3A_489 = tpu.memref_slice %arg5[%add3A_482, %dma_start3A_488] : memref<128x64xi32, #tpu.memory_space<vmem>> -> memref<1x56xi32, #tpu.memory_space<vmem>>
      %dma_start3A_490 = tpu.memref_squeeze %dma_start3A_489 : memref<1x56xi32, #tpu.memory_space<vmem>> -> memref<56xi32, #tpu.memory_space<vmem>>
      %dma_start3A_491 = arith.constant 0 : i32
      %dma_start3A_492 = arith.constant 0 : i32
      %dma_start3A_493 = tpu.memref_slice %arg2[%dma_start3A_491, %dma_start3A_492] : memref<1000000x256xf32, #tpu.memory_space<hbm>> -> memref<1000000x256xf32, #tpu.memory_space<hbm>>
      tpu.enqueue_indirect_dma source(%dma_start3A_493 : memref<1000000x256xf32, #tpu.memory_space<hbm>>) target(%dma_start3A_487 : memref<56x256xf32, #tpu.memory_space<vmem>>) offsets(%dma_start3A_490 : memref<56xi32, #tpu.memory_space<vmem>>) semaphore(%arg8 : memref<!tpu.dma_semaphore, #tpu.memory_space<semaphore_mem>>)
    }
    %scan3A_89 = arith.constant 63 : i32
    %dma_wait3A_90 = arith.constant 127 : i32
    %dma_wait3A_91 = arith.constant 1 : i32
    %dma_wait3A_92 = arith.constant 0 : i32
    %dma_wait3A_93 = arith.constant 0 : i32
    %dma_wait3A_94 = tpu.memref_slice %arg6[%dma_wait3A_91, %dma_wait3A_92, %dma_wait3A_93] : memref<2x56x256xf32, #tpu.memory_space<vmem>> -> memref<1x56x256xf32, #tpu.memory_space<vmem>>
    %dma_wait3A_95 = tpu.memref_squeeze %dma_wait3A_94 : memref<1x56x256xf32, #tpu.memory_space<vmem>> -> memref<56x256xf32, #tpu.memory_space<vmem>>
    %dma_wait3A_96 = arith.constant 0 : i32
    %dma_wait3A_97 = tpu.memref_slice %arg5[%dma_wait3A_90, %dma_wait3A_96] : memref<128x64xi32, #tpu.memory_space<vmem>> -> memref<1x56xi32, #tpu.memory_space<vmem>>
    %dma_wait3A_98 = tpu.memref_squeeze %dma_wait3A_97 : memref<1x56xi32, #tpu.memory_space<vmem>> -> memref<56xi32, #tpu.memory_space<vmem>>
    %dma_wait3A_99 = arith.constant 0 : i32
    %dma_wait3A_100 = arith.constant 0 : i32
    %dma_wait3A_101 = tpu.memref_slice %arg2[%dma_wait3A_99, %dma_wait3A_100] : memref<1000000x256xf32, #tpu.memory_space<hbm>> -> memref<1000000x256xf32, #tpu.memory_space<hbm>>
    tpu.wait_indirect_dma semaphore(%arg8 : memref<!tpu.dma_semaphore, #tpu.memory_space<semaphore_mem>>) src(%dma_wait3A_101 : memref<1000000x256xf32, #tpu.memory_space<hbm>>) dst(%dma_wait3A_95 : memref<56x256xf32, #tpu.memory_space<vmem>>)
    %add3A_102 = arith.constant 127 : i32
    %add3A_103 = arith.addi %mul3A_2, %add3A_102 : i32
    %dma_start3A_104 = arith.constant 1 : i32
    %dma_start3A_105 = arith.constant 0 : i32
    %dma_start3A_106 = arith.constant 0 : i32
    %dma_start3A_107 = tpu.memref_slice %arg6[%dma_start3A_104, %dma_start3A_105, %dma_start3A_106] : memref<2x56x256xf32, #tpu.memory_space<vmem>> -> memref<1x48x256xf32, #tpu.memory_space<vmem>>
    %dma_start3A_108 = tpu.memref_squeeze %dma_start3A_107 : memref<1x48x256xf32, #tpu.memory_space<vmem>> -> memref<48x256xf32, #tpu.memory_space<vmem>>
    %dma_start3A_109 = arith.constant 0 : i32
    %dma_start3A_110 = arith.constant 0 : i32
    %dma_start3A_111 = tpu.memref_slice %arg4[%add3A_103, %dma_start3A_109, %dma_start3A_110] : memref<4096x50x256xf32, #tpu.memory_space<hbm>> -> memref<1x50x256xf32, #tpu.memory_space<hbm>>
    %dma_start3A_112 = tpu.memref_squeeze %dma_start3A_111 : memref<1x50x256xf32, #tpu.memory_space<hbm>> -> memref<50x256xf32, #tpu.memory_space<hbm>>
    %dma_start3A_113 = arith.constant 0 : i32
    %dma_start3A_114 = arith.constant 0 : i32
    %dma_start3A_115 = tpu.memref_slice %dma_start3A_112[%dma_start3A_113, %dma_start3A_114] : memref<50x256xf32, #tpu.memory_space<hbm>> -> memref<48x256xf32, #tpu.memory_space<hbm>>
    %dma_start3A_116 = arith.constant 0 : i32
    %dma_start3A_117 = arith.constant 0 : i32
    %dma_start3A_118 = tpu.memref_slice %arg4[%add3A_103, %dma_start3A_116, %dma_start3A_117] : memref<4096x50x256xf32, #tpu.memory_space<hbm>> -> memref<1x50x256xf32, #tpu.memory_space<hbm>>
    %dma_start3A_119 = tpu.memref_squeeze %dma_start3A_118 : memref<1x50x256xf32, #tpu.memory_space<hbm>> -> memref<50x256xf32, #tpu.memory_space<hbm>>
    %dma_start3A_120 = arith.constant 0 : i32
    %dma_start3A_121 = arith.constant 0 : i32
    %dma_start3A_122 = tpu.memref_slice %dma_start3A_119[%dma_start3A_120, %dma_start3A_121] : memref<50x256xf32, #tpu.memory_space<hbm>> -> memref<48x256xf32, #tpu.memory_space<hbm>>
    %dma_start3A_123 = arith.constant 0 : i32
    %dma_start3A_124 = arith.constant 0 : i32
    %dma_start3A_125 = tpu.memref_slice %arg6[%dma_start3A_104, %dma_start3A_123, %dma_start3A_124] : memref<2x56x256xf32, #tpu.memory_space<vmem>> -> memref<1x48x256xf32, #tpu.memory_space<vmem>>
    %dma_start3A_126 = tpu.memref_squeeze %dma_start3A_125 : memref<1x48x256xf32, #tpu.memory_space<vmem>> -> memref<48x256xf32, #tpu.memory_space<vmem>>
    tpu.enqueue_dma source(%dma_start3A_126 : memref<48x256xf32, #tpu.memory_space<vmem>>) target(%dma_start3A_122 : memref<48x256xf32, #tpu.memory_space<hbm>>) target_semaphore(%arg10 : memref<!tpu.dma_semaphore, #tpu.memory_space<semaphore_mem>>)
    %dma_start3A_127 = arith.constant 1 : i32
    %dma_start3A_128 = arith.constant 48 : i32
    %dma_start3A_129 = arith.constant 0 : i32
    %dma_start3A_130 = tpu.memref_slice %arg6[%dma_start3A_127, %dma_start3A_128, %dma_start3A_129] : memref<2x56x256xf32, #tpu.memory_space<vmem>> -> memref<1x2x256xf32, #tpu.memory_space<vmem>>
    %dma_start3A_131 = tpu.memref_squeeze %dma_start3A_130 : memref<1x2x256xf32, #tpu.memory_space<vmem>> -> memref<2x256xf32, #tpu.memory_space<vmem>>
    %dma_start3A_132 = arith.constant 0 : i32
    %dma_start3A_133 = arith.constant 0 : i32
    %dma_start3A_134 = tpu.memref_slice %arg4[%add3A_103, %dma_start3A_132, %dma_start3A_133] : memref<4096x50x256xf32, #tpu.memory_space<hbm>> -> memref<1x50x256xf32, #tpu.memory_space<hbm>>
    %dma_start3A_135 = tpu.memref_squeeze %dma_start3A_134 : memref<1x50x256xf32, #tpu.memory_space<hbm>> -> memref<50x256xf32, #tpu.memory_space<hbm>>
    %dma_start3A_136 = arith.constant 48 : i32
    %dma_start3A_137 = arith.constant 0 : i32
    %dma_start3A_138 = tpu.memref_slice %dma_start3A_135[%dma_start3A_136, %dma_start3A_137] : memref<50x256xf32, #tpu.memory_space<hbm>> -> memref<2x256xf32, #tpu.memory_space<hbm>>
    %dma_start3A_139 = arith.constant 0 : i32
    %dma_start3A_140 = arith.constant 0 : i32
    %dma_start3A_141 = tpu.memref_slice %arg4[%add3A_103, %dma_start3A_139, %dma_start3A_140] : memref<4096x50x256xf32, #tpu.memory_space<hbm>> -> memref<1x50x256xf32, #tpu.memory_space<hbm>>
    %dma_start3A_142 = tpu.memref_squeeze %dma_start3A_141 : memref<1x50x256xf32, #tpu.memory_space<hbm>> -> memref<50x256xf32, #tpu.memory_space<hbm>>
    %dma_start3A_143 = arith.constant 48 : i32
    %dma_start3A_144 = arith.constant 0 : i32
    %dma_start3A_145 = tpu.memref_slice %dma_start3A_142[%dma_start3A_143, %dma_start3A_144] : memref<50x256xf32, #tpu.memory_space<hbm>> -> memref<2x256xf32, #tpu.memory_space<hbm>>
    %dma_start3A_146 = arith.constant 48 : i32
    %dma_start3A_147 = arith.constant 0 : i32
    %dma_start3A_148 = tpu.memref_slice %arg6[%dma_start3A_127, %dma_start3A_146, %dma_start3A_147] : memref<2x56x256xf32, #tpu.memory_space<vmem>> -> memref<1x2x256xf32, #tpu.memory_space<vmem>>
    %dma_start3A_149 = tpu.memref_squeeze %dma_start3A_148 : memref<1x2x256xf32, #tpu.memory_space<vmem>> -> memref<2x256xf32, #tpu.memory_space<vmem>>
    tpu.enqueue_dma source(%dma_start3A_149 : memref<2x256xf32, #tpu.memory_space<vmem>>) target(%dma_start3A_145 : memref<2x256xf32, #tpu.memory_space<hbm>>) target_semaphore(%arg10 : memref<!tpu.dma_semaphore, #tpu.memory_space<semaphore_mem>>)
    %add3A_150 = arith.constant 126 : i32
    %add3A_151 = arith.addi %mul3A_2, %add3A_150 : i32
    %dma_wait3A_152 = arith.constant 0 : i32
    %dma_wait3A_153 = arith.constant 0 : i32
    %dma_wait3A_154 = arith.constant 0 : i32
    %dma_wait3A_155 = tpu.memref_slice %arg6[%dma_wait3A_152, %dma_wait3A_153, %dma_wait3A_154] : memref<2x56x256xf32, #tpu.memory_space<vmem>> -> memref<1x48x256xf32, #tpu.memory_space<vmem>>
    %dma_wait3A_156 = tpu.memref_squeeze %dma_wait3A_155 : memref<1x48x256xf32, #tpu.memory_space<vmem>> -> memref<48x256xf32, #tpu.memory_space<vmem>>
    %dma_wait3A_157 = arith.constant 0 : i32
    %dma_wait3A_158 = arith.constant 0 : i32
    %dma_wait3A_159 = tpu.memref_slice %arg4[%add3A_151, %dma_wait3A_157, %dma_wait3A_158] : memref<4096x50x256xf32, #tpu.memory_space<hbm>> -> memref<1x50x256xf32, #tpu.memory_space<hbm>>
    %dma_wait3A_160 = tpu.memref_squeeze %dma_wait3A_159 : memref<1x50x256xf32, #tpu.memory_space<hbm>> -> memref<50x256xf32, #tpu.memory_space<hbm>>
    %dma_wait3A_161 = arith.constant 0 : i32
    %dma_wait3A_162 = arith.constant 0 : i32
    %dma_wait3A_163 = tpu.memref_slice %dma_wait3A_160[%dma_wait3A_161, %dma_wait3A_162] : memref<50x256xf32, #tpu.memory_space<hbm>> -> memref<48x256xf32, #tpu.memory_space<hbm>>
    %dma_wait3A_164 = arith.constant 0 : i32
    %dma_wait3A_165 = arith.constant 0 : i32
    %dma_wait3A_166 = tpu.memref_slice %arg4[%add3A_151, %dma_wait3A_164, %dma_wait3A_165] : memref<4096x50x256xf32, #tpu.memory_space<hbm>> -> memref<1x50x256xf32, #tpu.memory_space<hbm>>
    %dma_wait3A_167 = tpu.memref_squeeze %dma_wait3A_166 : memref<1x50x256xf32, #tpu.memory_space<hbm>> -> memref<50x256xf32, #tpu.memory_space<hbm>>
    %dma_wait3A_168 = arith.constant 0 : i32
    %dma_wait3A_169 = arith.constant 0 : i32
    %dma_wait3A_170 = tpu.memref_slice %dma_wait3A_167[%dma_wait3A_168, %dma_wait3A_169] : memref<50x256xf32, #tpu.memory_space<hbm>> -> memref<48x256xf32, #tpu.memory_space<hbm>>
    %dma_wait3A_171 = arith.constant 0 : i32
    %dma_wait3A_172 = arith.constant 0 : i32
    %dma_wait3A_173 = tpu.memref_slice %arg6[%dma_wait3A_152, %dma_wait3A_171, %dma_wait3A_172] : memref<2x56x256xf32, #tpu.memory_space<vmem>> -> memref<1x48x256xf32, #tpu.memory_space<vmem>>
    %dma_wait3A_174 = tpu.memref_squeeze %dma_wait3A_173 : memref<1x48x256xf32, #tpu.memory_space<vmem>> -> memref<48x256xf32, #tpu.memory_space<vmem>>
    tpu.wait_dma2 semaphore(%arg9 : memref<!tpu.dma_semaphore, #tpu.memory_space<semaphore_mem>>) src(%dma_wait3A_174 : memref<48x256xf32, #tpu.memory_space<vmem>>) dst(%dma_wait3A_170 : memref<48x256xf32, #tpu.memory_space<hbm>>)
    %dma_wait3A_175 = arith.constant 0 : i32
    %dma_wait3A_176 = arith.constant 48 : i32
    %dma_wait3A_177 = arith.constant 0 : i32
    %dma_wait3A_178 = tpu.memref_slice %arg6[%dma_wait3A_175, %dma_wait3A_176, %dma_wait3A_177] : memref<2x56x256xf32, #tpu.memory_space<vmem>> -> memref<1x2x256xf32, #tpu.memory_space<vmem>>
    %dma_wait3A_179 = tpu.memref_squeeze %dma_wait3A_178 : memref<1x2x256xf32, #tpu.memory_space<vmem>> -> memref<2x256xf32, #tpu.memory_space<vmem>>
    %dma_wait3A_180 = arith.constant 0 : i32
    %dma_wait3A_181 = arith.constant 0 : i32
    %dma_wait3A_182 = tpu.memref_slice %arg4[%add3A_151, %dma_wait3A_180, %dma_wait3A_181] : memref<4096x50x256xf32, #tpu.memory_space<hbm>> -> memref<1x50x256xf32, #tpu.memory_space<hbm>>
    %dma_wait3A_183 = tpu.memref_squeeze %dma_wait3A_182 : memref<1x50x256xf32, #tpu.memory_space<hbm>> -> memref<50x256xf32, #tpu.memory_space<hbm>>
    %dma_wait3A_184 = arith.constant 48 : i32
    %dma_wait3A_185 = arith.constant 0 : i32
    %dma_wait3A_186 = tpu.memref_slice %dma_wait3A_183[%dma_wait3A_184, %dma_wait3A_185] : memref<50x256xf32, #tpu.memory_space<hbm>> -> memref<2x256xf32, #tpu.memory_space<hbm>>
    %dma_wait3A_187 = arith.constant 0 : i32
    %dma_wait3A_188 = arith.constant 0 : i32
    %dma_wait3A_189 = tpu.memref_slice %arg4[%add3A_151, %dma_wait3A_187, %dma_wait3A_188] : memref<4096x50x256xf32, #tpu.memory_space<hbm>> -> memref<1x50x256xf32, #tpu.memory_space<hbm>>
    %dma_wait3A_190 = tpu.memref_squeeze %dma_wait3A_189 : memref<1x50x256xf32, #tpu.memory_space<hbm>> -> memref<50x256xf32, #tpu.memory_space<hbm>>
    %dma_wait3A_191 = arith.constant 48 : i32
    %dma_wait3A_192 = arith.constant 0 : i32
    %dma_wait3A_193 = tpu.memref_slice %dma_wait3A_190[%dma_wait3A_191, %dma_wait3A_192] : memref<50x256xf32, #tpu.memory_space<hbm>> -> memref<2x256xf32, #tpu.memory_space<hbm>>
    %dma_wait3A_194 = arith.constant 48 : i32
    %dma_wait3A_195 = arith.constant 0 : i32
    %dma_wait3A_196 = tpu.memref_slice %arg6[%dma_wait3A_175, %dma_wait3A_194, %dma_wait3A_195] : memref<2x56x256xf32, #tpu.memory_space<vmem>> -> memref<1x2x256xf32, #tpu.memory_space<vmem>>
    %dma_wait3A_197 = tpu.memref_squeeze %dma_wait3A_196 : memref<1x2x256xf32, #tpu.memory_space<vmem>> -> memref<2x256xf32, #tpu.memory_space<vmem>>
    tpu.wait_dma2 semaphore(%arg9 : memref<!tpu.dma_semaphore, #tpu.memory_space<semaphore_mem>>) src(%dma_wait3A_197 : memref<2x256xf32, #tpu.memory_space<vmem>>) dst(%dma_wait3A_193 : memref<2x256xf32, #tpu.memory_space<hbm>>)
    %add3A_198 = arith.constant 127 : i32
    %add3A_199 = arith.addi %mul3A_2, %add3A_198 : i32
    %dma_wait3A_200 = arith.constant 1 : i32
    %dma_wait3A_201 = arith.constant 0 : i32
    %dma_wait3A_202 = arith.constant 0 : i32
    %dma_wait3A_203 = tpu.memref_slice %arg6[%dma_wait3A_200, %dma_wait3A_201, %dma_wait3A_202] : memref<2x56x256xf32, #tpu.memory_space<vmem>> -> memref<1x48x256xf32, #tpu.memory_space<vmem>>
    %dma_wait3A_204 = tpu.memref_squeeze %dma_wait3A_203 : memref<1x48x256xf32, #tpu.memory_space<vmem>> -> memref<48x256xf32, #tpu.memory_space<vmem>>
    %dma_wait3A_205 = arith.constant 0 : i32
    %dma_wait3A_206 = arith.constant 0 : i32
    %dma_wait3A_207 = tpu.memref_slice %arg4[%add3A_199, %dma_wait3A_205, %dma_wait3A_206] : memref<4096x50x256xf32, #tpu.memory_space<hbm>> -> memref<1x50x256xf32, #tpu.memory_space<hbm>>
    %dma_wait3A_208 = tpu.memref_squeeze %dma_wait3A_207 : memref<1x50x256xf32, #tpu.memory_space<hbm>> -> memref<50x256xf32, #tpu.memory_space<hbm>>
    %dma_wait3A_209 = arith.constant 0 : i32
    %dma_wait3A_210 = arith.constant 0 : i32
    %dma_wait3A_211 = tpu.memref_slice %dma_wait3A_208[%dma_wait3A_209, %dma_wait3A_210] : memref<50x256xf32, #tpu.memory_space<hbm>> -> memref<48x256xf32, #tpu.memory_space<hbm>>
    %dma_wait3A_212 = arith.constant 0 : i32
    %dma_wait3A_213 = arith.constant 0 : i32
    %dma_wait3A_214 = tpu.memref_slice %arg4[%add3A_199, %dma_wait3A_212, %dma_wait3A_213] : memref<4096x50x256xf32, #tpu.memory_space<hbm>> -> memref<1x50x256xf32, #tpu.memory_space<hbm>>
    %dma_wait3A_215 = tpu.memref_squeeze %dma_wait3A_214 : memref<1x50x256xf32, #tpu.memory_space<hbm>> -> memref<50x256xf32, #tpu.memory_space<hbm>>
    %dma_wait3A_216 = arith.constant 0 : i32
    %dma_wait3A_217 = arith.constant 0 : i32
    %dma_wait3A_218 = tpu.memref_slice %dma_wait3A_215[%dma_wait3A_216, %dma_wait3A_217] : memref<50x256xf32, #tpu.memory_space<hbm>> -> memref<48x256xf32, #tpu.memory_space<hbm>>
    %dma_wait3A_219 = arith.constant 0 : i32
    %dma_wait3A_220 = arith.constant 0 : i32
    %dma_wait3A_221 = tpu.memref_slice %arg6[%dma_wait3A_200, %dma_wait3A_219, %dma_wait3A_220] : memref<2x56x256xf32, #tpu.memory_space<vmem>> -> memref<1x48x256xf32, #tpu.memory_space<vmem>>
    %dma_wait3A_222 = tpu.memref_squeeze %dma_wait3A_221 : memref<1x48x256xf32, #tpu.memory_space<vmem>> -> memref<48x256xf32, #tpu.memory_space<vmem>>
    tpu.wait_dma2 semaphore(%arg10 : memref<!tpu.dma_semaphore, #tpu.memory_space<semaphore_mem>>) src(%dma_wait3A_222 : memref<48x256xf32, #tpu.memory_space<vmem>>) dst(%dma_wait3A_218 : memref<48x256xf32, #tpu.memory_space<hbm>>)
    %dma_wait3A_223 = arith.constant 1 : i32
    %dma_wait3A_224 = arith.constant 48 : i32
    %dma_wait3A_225 = arith.constant 0 : i32
    %dma_wait3A_226 = tpu.memref_slice %arg6[%dma_wait3A_223, %dma_wait3A_224, %dma_wait3A_225] : memref<2x56x256xf32, #tpu.memory_space<vmem>> -> memref<1x2x256xf32, #tpu.memory_space<vmem>>
    %dma_wait3A_227 = tpu.memref_squeeze %dma_wait3A_226 : memref<1x2x256xf32, #tpu.memory_space<vmem>> -> memref<2x256xf32, #tpu.memory_space<vmem>>
    %dma_wait3A_228 = arith.constant 0 : i32
    %dma_wait3A_229 = arith.constant 0 : i32
    %dma_wait3A_230 = tpu.memref_slice %arg4[%add3A_199, %dma_wait3A_228, %dma_wait3A_229] : memref<4096x50x256xf32, #tpu.memory_space<hbm>> -> memref<1x50x256xf32, #tpu.memory_space<hbm>>
    %dma_wait3A_231 = tpu.memref_squeeze %dma_wait3A_230 : memref<1x50x256xf32, #tpu.memory_space<hbm>> -> memref<50x256xf32, #tpu.memory_space<hbm>>
    %dma_wait3A_232 = arith.constant 48 : i32
    %dma_wait3A_233 = arith.constant 0 : i32
    %dma_wait3A_234 = tpu.memref_slice %dma_wait3A_231[%dma_wait3A_232, %dma_wait3A_233] : memref<50x256xf32, #tpu.memory_space<hbm>> -> memref<2x256xf32, #tpu.memory_space<hbm>>
    %dma_wait3A_235 = arith.constant 0 : i32
    %dma_wait3A_236 = arith.constant 0 : i32
    %dma_wait3A_237 = tpu.memref_slice %arg4[%add3A_199, %dma_wait3A_235, %dma_wait3A_236] : memref<4096x50x256xf32, #tpu.memory_space<hbm>> -> memref<1x50x256xf32, #tpu.memory_space<hbm>>
    %dma_wait3A_238 = tpu.memref_squeeze %dma_wait3A_237 : memref<1x50x256xf32, #tpu.memory_space<hbm>> -> memref<50x256xf32, #tpu.memory_space<hbm>>
    %dma_wait3A_239 = arith.constant 48 : i32
    %dma_wait3A_240 = arith.constant 0 : i32
    %dma_wait3A_241 = tpu.memref_slice %dma_wait3A_238[%dma_wait3A_239, %dma_wait3A_240] : memref<50x256xf32, #tpu.memory_space<hbm>> -> memref<2x256xf32, #tpu.memory_space<hbm>>
    %dma_wait3A_242 = arith.constant 48 : i32
    %dma_wait3A_243 = arith.constant 0 : i32
    %dma_wait3A_244 = tpu.memref_slice %arg6[%dma_wait3A_223, %dma_wait3A_242, %dma_wait3A_243] : memref<2x56x256xf32, #tpu.memory_space<vmem>> -> memref<1x2x256xf32, #tpu.memory_space<vmem>>
    %dma_wait3A_245 = tpu.memref_squeeze %dma_wait3A_244 : memref<1x2x256xf32, #tpu.memory_space<vmem>> -> memref<2x256xf32, #tpu.memory_space<vmem>>
    tpu.wait_dma2 semaphore(%arg10 : memref<!tpu.dma_semaphore, #tpu.memory_space<semaphore_mem>>) src(%dma_wait3A_245 : memref<2x256xf32, #tpu.memory_space<vmem>>) dst(%dma_wait3A_241 : memref<2x256xf32, #tpu.memory_space<hbm>>)
    return
  }
}

</mosaic_0001>

<sc_bundles>
// kernel: kernel.3.cloned.1.call-start
scs
__scs_entry_jumppad:
0x0: {  	(pc) =	sbr.rel $0x88, $3  }
0x1: {  	(tag) =	ssettag $0x0;
	lr =	simm.s32 $0x1  }
0x2: {  	[smem:$0x3F9F] =	sst lr;
	_ =	strace $0xD0000000  }
0x3: {  	_ = 	snop  }
0x4: {  	_ = 	snop  }
0x5: {  	_ = 	snop  }
0x6: {  	_ = 	snop  }
0x7: {  	_ = 	snop  }
__scs_overlays_trampoline_lowered:
0x8: {  	[smem:$0x3FAE] =	sst s0  }
0x9: {  	[smem:$0x3FAF] =	sst s1  }
0xa: {  	[smem:$0x3FB0] =	sst s2  }
0xb: {  	[smem:$0x3FB1] =	sst s3  }
0xc: {  	[smem:$0x3FB2] =	sst s4  }
0xd: {  	[smem:$0x3FB3] =	sst s5  }
0xe: {  	[smem:$0x3FB4] =	sst s6  }
0xf: {  	[smem:$0x3FB5] =	sst s7  }
0x10: {  	[smem:$0x3FB6] =	sst s8  }
0x11: {  	[smem:$0x3FB7] =	sst s9;
	s0 =	simm.s32 @!p0 $0x0  }
0x12: {  	s1 =	sld [smem:$0x3F9D];
	s0 =	simm.s32 @p0 $0x1  }
0x13: {  	[smem:$0x3FB8] =	sst s0;
	s0 =	simm.s32 @!p1 $0x0  }
0x14: {  	s2 =	sld [smem:$0x3F9C];
	s0 =	simm.s32 @p1 $0x1  }
0x15: {  	[smem:$0x3FB9] =	sst s0;
	s0 =	simm.s32 @!p2 $0x0  }
0x16: {  	s3 =	sld [smem:$0x3FDB];
	s0 =	simm.s32 @p2 $0x1  }
0x17: {  	s4 =	simm.s32 $0x1BF5;
	[smem:$0x3FBB] =	sst s0  }
0x18: {  	s0 =	sld [smem:$0x3F9E];
	_ =	swait.ge [sflag:s4], $0x0  }
0x19: {  	s7 =	sld [smem:$0x3F9F]  }
0x1a: {  	s8 =	sadd.s32 $0xFFFFE003, lr  }
0x1b: {  	s9 =	sadd.s32 $0xFFFFFEF7, lr;
	s5 =	simm.s32 $0xFFFFFFFF;
	p2 =	slt.u32 s8, $0xFFFFF086  }
0x1c: {  	p1 =	slt.u32 s9, $0xF7A;
	s5 =	simm.s32 @!p2 $0x0  }
0x1d: {  	s5 =	simm.s32 @p1 $0x1;
	p0 =	seq.s32 s7, s2  }
0x1e: {  	s7 =	smul.u32 @!p0 $0xF7A, s2;
	p2 =	seq.s32 @!p0 s5, $0x0  }
0x1f: {  	s9 =	smul.u32 $0xF7A, s1;
	s8 =	simm.s32 @!p0 $0x1BF5;
	p2 =	por !p2, p0  }
0x20: {  	[sflag:s8] =	ssyncset.s32 @!p0 $0xFFFFF086;
	s6 =	sadd.s32 @!p0 s3, s7;
	s7 =	simm.s32 @!p0 $0x108  }
0x21: {  	s3 =	sadd.s32 s3, s9;
	s6 =	sadd.s32 @!p0 $0x88, s6;
	s7 =	simm.s32 @p2 $0x1082  }
0x22: {  	[simem:s7], [sflag:s8] =	dma.local @!p0 [hbm:s6], $0xF7A  }
0x23: {  	s9 =	sor.u32 $0xD0000000, s2;
	s6 =	simm.s32 $0x108;
	_ =	swait.ge @!p0 [sflag:s8], $0x0  }
0x24: {  	s3 =	sadd.s32 $0x88, s3;
	s6 =	simm.s32 @!p1 $0x1082;
	[sflag:s4] =	ssyncset.s32 $0xFFFFF086  }
0x25: {  	[simem:s6], [sflag:s4] =	dma.local [hbm:s3], $0xF7A  }
0x26: {  	[smem:$0x3F9F] =	sst s1;
	(tag) =	ssettag s2;
	_ =	strace s9  }
0x27: {  	s1 =	sld [smem:$0x3FAF]  }
0x28: {  	s2 =	sld [smem:$0x3FB0]  }
0x29: {  	s4 =	sld [smem:$0x3FB2]  }
0x2a: {  	p0 =	seq.s32 s5, $0x0;
	s5 =	sld [smem:$0x3FB3]  }
0x2b: {  	s6 =	sld [smem:$0x3FB4]  }
0x2c: {  	s7 =	sld [smem:$0x3FB5]  }
0x2d: {  	s3 =	simm.s32 $0x108;
	s8 =	sld [smem:$0x3FB6]  }
0x2e: {  	s3 =	simm.s32 @!p0 $0x1082;
	s9 =	sld [smem:$0x3FB7]  }
0x2f: {  	lr =	sadd.s32 s0, s3;
	s0 =	sld [smem:$0x3FAE]  }
0x30: {  	s3 =	sld [smem:$0x3FB1]  }
0x31: {  	[smem:$0x3FBA] =	sst s10  }
0x32: {  	s10 =	sld [smem:$0x3FB8];
	_ =	sdelay $0x3  }
0x33: {  	p0 =	seq.s32 s10, $0x1;
	s10 =	sld [smem:$0x3FBA];
	_ =	sdelay $0x3  }
0x34: {  	[smem:$0x3FBA] =	sst s10  }
0x35: {  	s10 =	sld [smem:$0x3FB9];
	_ =	sdelay $0x3  }
0x36: {  	p1 =	seq.s32 s10, $0x1;
	s10 =	sld [smem:$0x3FBA];
	_ =	sdelay $0x3  }
0x37: {  	[smem:$0x3FBA] =	sst s10  }
0x38: {  	s10 =	sld [smem:$0x3FBB]  }
0x39: {  	_ = 	snop;
	(pc) =	sbr.ind lr, $3  }
0x3a: {  	_ = 	snop  }
0x3b: {  	_ = 	snop  }
0x3c: {  	p2 =	seq.s32 s10, $0x1;
	s10 =	sld [smem:$0x3FBA]  }
0x3d: {  	_ =	shalt  }
0x3e: {  	_ =	shalt  }
0x3f: {  	_ =	shalt  }
0x40: {  	_ =	shalt  }
0x41: {  	_ =	shalt  }
0x42: {  	_ =	shalt  }
0x43: {  	_ =	shalt  }
0x44: {  	_ =	shalt  }
0x45: {  	_ =	shalt  }
0x46: {  	_ =	shalt  }
0x47: {  	_ =	shalt  }
0x48: {  	_ =	shalt  }
0x49: {  	_ =	shalt  }
0x4a: {  	_ =	shalt  }
0x4b: {  	_ =	shalt  }
0x4c: {  	_ =	shalt  }
0x4d: {  	_ =	shalt  }
0x4e: {  	_ =	shalt  }
0x4f: {  	_ =	shalt  }
0x50: {  	_ =	shalt  }
0x51: {  	_ =	shalt  }
0x52: {  	_ =	shalt  }
0x53: {  	_ =	shalt  }
0x54: {  	_ =	shalt  }
0x55: {  	_ =	shalt  }
0x56: {  	_ =	shalt  }
0x57: {  	_ =	shalt  }
0x58: {  	_ =	shalt  }
0x59: {  	_ =	shalt  }
0x5a: {  	_ =	shalt  }
0x5b: {  	_ =	shalt  }
0x5c: {  	_ =	shalt  }
0x5d: {  	_ =	shalt  }
0x5e: {  	_ =	shalt  }
0x5f: {  	_ =	shalt  }
0x60: {  	_ =	shalt  }
0x61: {  	_ =	shalt  }
0x62: {  	_ =	shalt  }
0x63: {  	_ =	shalt  }
0x64: {  	_ =	shalt  }
0x65: {  	_ =	shalt  }
0x66: {  	_ =	shalt  }
0x67: {  	_ =	shalt  }
0x68: {  	_ =	shalt  }
0x69: {  	_ =	shalt  }
0x6a: {  	_ =	shalt  }
0x6b: {  	_ =	shalt  }
0x6c: {  	_ =	shalt  }
0x6d: {  	_ =	shalt  }
0x6e: {  	_ =	shalt  }
0x6f: {  	_ =	shalt  }
0x70: {  	_ =	shalt  }
0x71: {  	_ =	shalt  }
0x72: {  	_ =	shalt  }
0x73: {  	_ =	shalt  }
0x74: {  	_ =	shalt  }
0x75: {  	_ =	shalt  }
0x76: {  	_ =	shalt  }
0x77: {  	_ =	shalt  }
0x78: {  	_ =	shalt  }
0x79: {  	_ =	shalt  }
0x7a: {  	_ =	shalt  }
0x7b: {  	_ =	shalt  }
0x7c: {  	_ =	shalt  }
0x7d: {  	_ =	shalt  }
0x7e: {  	_ =	shalt  }
0x7f: {  	_ =	shalt  }
0x80: {  	_ =	shalt  }
0x81: {  	_ =	shalt  }
0x82: {  	_ =	shalt  }
0x83: {  	_ =	shalt  }
0x84: {  	_ =	shalt  }
0x85: {  	_ =	shalt  }
0x86: {  	_ =	shalt  }
0x87: {  	_ =	shalt  }
.Lfunc_end0:
.L_simem_size_0:
called_computation_lowered:
.L_overlay_start_0:
0x88: {  	s2 =	sld [smem:$0x3FD9]  }
0x89: {  	s3 =	sld [smem:$0x3FFE];
	_ =	sdelay $0x1  }
0x8a: {  	s1 =	srdreg.scid  }
0x8b: {  	s0 =	sand.u32 $0x1, s1  }
0x8c: {  	s17 =	sshll.u32 s0, $0xA;
	s2 =	sadd.s32 s3, s2  }
0x8d: {  	s2 =	sadd.s32 s2, s17  }
0x8e: {  	[smem:$0x3FC6] =	sst s2  }
0x8f: {  	_ = 	snop  }
0x90: {  	s2 =	sld [smem:$0x3FC8]  }
0x91: {  	s18 =	sld [smem:$0x3FD0];
	(tm) =	ssettm $0x1  }
0x92: {  	s4 =	sld [smem:$0x3FFB];
	_ =	sdelay $0x3  }
0x93: {  	_ =	strace s4  }
0x94: {  	s4 =	sld [smem:$0x3FFC];
	_ =	sdelay $0x3  }
0x95: {  	_ =	strace s4  }
0x96: {  	s4 =	sld [smem:$0x3FFD];
	_ =	sdelay $0x3  }
0x97: {  	_ =	strace s4  }
0x98: {  	_ =	strace $0x8FFFFFFF  }
0x99: {  	s19 =	sld [smem:$0x3FDB];
	_ =	sdelay $0x1  }
0x9a: {  	s5 =	simm.s32 $_scs_section_size  }
0x9b: {  	s6 =	simm.s32 $_size__tile_overlayer_lowered;
	s7 =	simm.s32 $_tile_overlayer_lowered  }
0x9c: {  	s22 =	simm.s32 $0x1BFF;
	s21 =	sshll.u32 s7, $0x1;
	s4 =	sadd.s32 s5, s19  }
0x9d: {  	s8 =	simm.s32 $0x0;
	s20 =	sshll.u32 s6, $0x1;
	s6 =	sadd.s32 s21, s4  }
0x9e: {  	[timem:s8], [sflag:s22] =	dma.local [hbm:s6], s20  }
0x9f: {  	_ =	swait.ge [sflag:s22], s20  }
0xa0: {  	s5 =	ssub.s32 $0x0, s20;
	[sflag:s22] =	ssyncset.done $0x0  }
0xa1: {  	[sflag:s22] =	ssyncadd.s32 s5;
	_ =	sdelay $0x1  }
0xa2: {  	s23 =	simm.s32 $0x1B8B  }
0xa3: {  	_ =	swait.ge [sflag:s23], $0x1  }
0xa4: {  	[sflag:s23] =	ssyncset.done $0x0  }
0xa5: {  	s25 =	simm.s32 $0x1B8E;
	s24 =	sld [smem:$0x3FFE];
	[sflag:s23] =	ssyncadd.s32 $0xFFFFFFFF  }
0xa6: {  	s26 =	simm.s32 $execute0_lowered;
	[smem:$0x3FD2] =	sst s25  }
0xa7: {  	s6 =	sshll.u32 s26, $0x1;
	_ =	strace $0x80000046;
	[dreg:$0x1] =	wrdreg $0xFFFFFFFF  }
0xa8: {  	s28 =	simm.s32 $_size_execute0_lowered;
	s4 =	sadd.s32 s4, s6;
	[dreg:$0x0] =	wrdreg $0x0  }
0xa9: {  	s6 =	sshll.u32 s28, $0x1;
	[dreg:$0x2] =	wrdreg s4  }
0xaa: {  	[dreg:$0x3] =	wrdreg s6  }
0xab: {  	[dreg:$0x4] =	wrdreg $0xC0  }
0xac: {  	_ =	task [dreg:s8], $0x5FFFF  }
0xad: {  	[dreg:$0x1] =	wrdreg $0xFFFFFFFF  }
0xae: {  	[dreg:$0x0] =	wrdreg $0x60  }
0xaf: {  	[dreg:$0x2] =	wrdreg s2  }
0xb0: {  	[dreg:$0x3] =	wrdreg s18  }
0xb1: {  	[dreg:$0x4] =	wrdreg s24  }
0xb2: {  	[dreg:$0x5] =	wrdreg $0x9  }
0xb3: {  	_ =	task.clear_ibuf [dreg:s8], $0x6FFFF;
	_ =	strace $0x90000046  }
0xb4: {  	s29 =	simm.s32 $0x9;
	_ =	strace $0x80000048  }
0xb5: {  	_ =	swait.ge [sflag:s29], $0x1  }
0xb6: {  	[sflag:s29] =	ssyncadd.s32 $0xFFFFFFFF  }
0xb7: {  	_ =	strace $0x90000048  }
0xb8: {  	_ =	sfence  }
0xb9: {  	s30 =	sld [smem:$0x0];
	_ =	sdelay $0x2  }
0xba: {  	s31 =	sshll.u32 s1, $0xD;
	s1 =	sshrl.u32 s1, $0x2  }
0xbb: {  	s3 =	sand.u32 $0x4000, s31;
	s1 =	sadd.s32 s1, s30  }
0xbc: {  	s0 =	sor.u32 s3, s0;
	s1 =	sshll.u32 s1, $0x11  }
0xbd: {  	s0 =	sor.u32 s1, s0  }
0xbe: {  	s0 =	sadd.s32 $0x8F2B, s0  }
0xbf: {  	[sflag:s0] =	ssyncadd.remote.s32 $0x1  }
0xc0: {  	_ =	sfence.sel $0xFFFF  }
0xc1: {  	[dreg:$0x0] =	wrdreg $0xFFFFFFFF;
	(pc) =	sbr.abs _section_cstart, $3  }
0xc2: {  	[dreg:$0x1] =	wrdreg $0xFFFFFFFF  }
0xc3: {  	_ =	task.clear_ibuf [dreg:s8], $0x2FFFF;
	_ =	strace $0x9FFFFFFF  }
0xc4: {  	(tm) =	ssettm $0x7FFFFFFF  }
0xc5: {  	_ =	shalt  }
tec
execute0_lowered:
.L_overlay_start_1:
0x0: {  	(tag) =	ssettag $0x1  }
0x1: {  	s1 =	rddreg [dreg:$0x0];
	s0 =	srdreg.scid  }
0x2: {  	s2 =	rddreg [dreg:$0x1];
	s10 =	stileid.u32  }
0x3: {  	s4 =	rddreg [dreg:$0x2];
	s3 =	simm.s32 $0x0;
	s11 =	simm.s32 $0x5000  }
0x4: {  	s12 =	simm.s32 $0x5800;
	s13 =	simm.s32 $0x6000;
	s14 =	simm.s32 $0x6800  }
0x5: {  	s15 =	simm.s32 $0x7000;
	s16 =	simm.s32 $0x1;
	s19 =	simm.s32 $0x7400  }
0x6: {  	s20 =	simm.s32 $0x7800;
	s21 =	simm.s32 $0x8000;
	s28 =	simm.s32 $0x2  }
0x7: {  	s29 =	simm.s32 $0xAC00;
	s30 =	simm.s32 $0x3;
	s31 =	simm.s32 $0x4  }
0x8: {  	s0 =	sand.u32 $0x1, s0;
	s5 =	sshll.u32 s10, $0x8;
	[smem:$0x7FF] =	sst s3  }
0x9: {  	s4 =	sadd.s32 $0x400, s4;
	s10 =	smul.u32 $0x70000, s10;
	s6 =	sshll.u32 s0, $0x7  }
0xa: {  	s7 =	ssub.s32 $0x2, s0;
	s0 =	smul.u32 $0x38000, s0;
	s5 =	sor.u32 s6, s5  }
0xb: {  	_ =	strace $0x80000047;
	s9 =	sshrl.u32 s7, $0x1;
	s6 =	smul.u32 $0x700, s5  }
0xc: {  	s23 =	sadd.s32 s10, s4;
	s10 =	simm.s32 $0x4800;
	s8 =	smul.u32 $0x3800, s5  }
0xd: {  	s7 =	ssub.s32 s7, s9;
	s5 =	sshll.u32 s5, $0x4;
	s0 =	sadd.s32 s0, s23  }
0xe: {  	s9 =	simm.s32 $0x4000;
	s2 =	sadd.s32 s2, s5;
	[dreg:$0x4] =	wrdreg s0  }
0xf: {  	s23 =	simm.s32 $0x9000;
	s24 =	smax.u32 s7, $0x1;
	[dreg:$0x5] =	wrdreg s2  }
0x10: {  	s22 =	sshrl.u32 s8, $0x3;
	s5 =	sadd.s32 s4, s6;
	[dreg:$0x6] =	wrdreg s24  }
0x11: {  	s8 =	simm.s32 $0x5;
	s24 =	simm.s32 $0x9800;
	s25 =	sadd.s32 $0x600, s5  }
0x12: {  	v2 =	vlaneseq.u32;
	s2 =	sadd.s32 s4, s22;
	s26 =	sadd.s32 $0x680, s5;
	[dreg:$0x7] =	wrdreg s25  }
0x13: {  	vm0 =	vmmov $0xffff;
	v1 =	vshrl.u32 v2, $0x3;
	s22 =	simm.s32 $0x8800;
	s6 =	sadd.s32 $0x37900, s2;
	[dreg:$0x8] =	wrdreg s26  }
0x14: {  	v0 =	vand.u32 $0x7, v2;
	v2 =	vor.u32 $0x8, v2;
	v1 =	vmul.u32 $0x8, v1;
	s25 =	simm.s32 $0xA000;
	s26 =	simm.s32 $0xA800;
	s2 =	simm.s32 $0x0  }
.LBB2_1:
0x15: {  	s0 =	rddreg [dreg:$0x5]  }
0x16: {  	[tilespmem:s3], [sflag:$0x5] =	stream.linear.gather [hbm4b:s0+s3], $0x4000, $0x38;
	[tilespmem:$0xB000] =	vst v63  }
0x17: {  	_ =	swait.ge [sflag:s8], $0x4000  }
0x18: {  	[sflag:s8] =	ssyncset.done $0x0  }
0x19: {  	[sflag:s8] =	ssyncadd.s32 $0xFFFFC000  }
0x1a: {  	v3 =	vld [tilespmem:$0x0];
	_ =	sdelay $0x4  }
0x1b: {  	v4 =	vshll.u32 v3, $0x1  }
0x1c: {  	v3 =	vand.u32 $0x7, v3;
	v4 =	vand.u32 $0xFFFFFFF0, v4  }
0x1d: {  	v3 =	vor.u32 v3, v4  }
0x1e: {  	v4 =	vperm.xlane v3, v0;
	_ =	sdelay $0x1  }
0x1f: {  	v3 =	vperm.xlane v3, v2;
	v4 =	vadd.s32 v1, v4;
	_ =	sdelay $0x1  }
0x20: {  	v3 =	vadd.s32 v1, v3;
	_ =	sdelay $0x2  }
0x21: {  	[tilespmem:s9], [sflag:$0x1] =	stream.indirect_vreg.gather [hbm4b:s1+s3], $0x80, v4, vm0, $0xb8;
	[tilespmem:$0xB000] =	vst v63  }
0x22: {  	_ = 	snop  }
0x23: {  	[tilespmem:s10], [sflag:$0x1] =	stream.indirect_vreg.gather [hbm4b:s1+s3], $0x80, v3, vm0, $0xb8;
	[tilespmem:$0xB000] =	vst v63  }
0x24: {  	v3 =	vld [tilespmem:$0x10];
	_ =	sdelay $0x4  }
0x25: {  	v57 =	vshll.u32 v3, $0x1  }
0x26: {  	v3 =	vand.u32 $0x7, v3;
	v4 =	vand.u32 $0xFFFFFFF0, v57  }
0x27: {  	v3 =	vor.u32 v3, v4  }
0x28: {  	v4 =	vperm.xlane v3, v0;
	_ =	sdelay $0x1  }
0x29: {  	v3 =	vperm.xlane v3, v2;
	v4 =	vadd.s32 v1, v4;
	_ =	sdelay $0x1  }
0x2a: {  	v3 =	vadd.s32 v1, v3;
	_ =	sdelay $0x2  }
0x2b: {  	[tilespmem:s11], [sflag:$0x1] =	stream.indirect_vreg.gather [hbm4b:s1+s3], $0x80, v4, vm0, $0xb8;
	[tilespmem:$0xB000] =	vst v63  }
0x2c: {  	_ = 	snop  }
0x2d: {  	[tilespmem:s12], [sflag:$0x1] =	stream.indirect_vreg.gather [hbm4b:s1+s3], $0x80, v3, vm0, $0xb8;
	[tilespmem:$0xB000] =	vst v63  }
0x2e: {  	v3 =	vld [tilespmem:$0x20];
	_ =	sdelay $0x4  }
0x2f: {  	v58 =	vshll.u32 v3, $0x1  }
0x30: {  	v3 =	vand.u32 $0x7, v3;
	v4 =	vand.u32 $0xFFFFFFF0, v58  }
0x31: {  	v3 =	vor.u32 v3, v4  }
0x32: {  	v4 =	vperm.xlane v3, v0;
	_ =	sdelay $0x1  }
0x33: {  	v3 =	vperm.xlane v3, v2;
	v4 =	vadd.s32 v1, v4;
	_ =	sdelay $0x1  }
0x34: {  	v3 =	vadd.s32 v1, v3;
	_ =	sdelay $0x2  }
0x35: {  	[tilespmem:s13], [sflag:$0x1] =	stream.indirect_vreg.gather [hbm4b:s1+s3], $0x80, v4, vm0, $0xb8;
	[tilespmem:$0xB000] =	vst v63  }
0x36: {  	_ = 	snop  }
0x37: {  	[tilespmem:s14], [sflag:$0x1] =	stream.indirect_vreg.gather [hbm4b:s1+s3], $0x80, v3, vm0, $0xb8;
	[tilespmem:$0xB000] =	vst v63  }
0x38: {  	v3 =	vld.msk [tilespmem:$0x30], $0xff;
	_ =	sdelay $0x4  }
0x39: {  	v59 =	vshll.u32 v3, $0x1  }
0x3a: {  	v3 =	vand.u32 $0x7, v3;
	v4 =	vand.u32 $0xFFFFFFF0, v59  }
0x3b: {  	v3 =	vor.u32 v3, v4  }
0x3c: {  	v3 =	vperm.xlane v3, v0;
	_ =	sdelay $0x1  }
0x3d: {  	v3 =	vadd.s32 v1, v3;
	_ =	sdelay $0x4  }
0x3e: {  	[tilespmem:s15], [sflag:$0x1] =	stream.indirect_vreg.gather [hbm4b:s1+s3], $0x80, v3, vm0, $0xb8;
	[tilespmem:$0xB000] =	vst v63  }
0x3f: {  	_ =	swait.ge [sflag:s16], $0x3800  }
0x40: {  	[sflag:s16] =	ssyncset.done $0x0  }
0x41: {  	[sflag:s16] =	ssyncadd.s32 $0xFFFFC800  }
0x42: {  	[hbm4b:s5+s3] =	stream.linear.scatter [tilespmem:s9], [sflag:$0x3], $0x3000, $0x38;
	[tilespmem:$0xB000] =	vst v63  }
0x43: {  	s17 =	rddreg [dreg:$0x7]  }
0x44: {  	[hbm4b:s17+s3] =	stream.linear.scatter [tilespmem:s15], [sflag:$0x3], $0x100, $0x38;
	[tilespmem:$0xB000] =	vst v63  }
0x45: {  	s18 =	rddreg [dreg:$0x8]  }
0x46: {  	[hbm4b:s18+s3] =	stream.linear.scatter [tilespmem:s19], [sflag:$0x3], $0x100, $0x38;
	[tilespmem:$0xB000] =	vst v63  }
0x47: {  	v3 =	vld [tilespmem:$0x80];
	_ =	sdelay $0x4  }
0x48: {  	v60 =	vshll.u32 v3, $0x1  }
0x49: {  	v3 =	vand.u32 $0x7, v3;
	v4 =	vand.u32 $0xFFFFFFF0, v60  }
0x4a: {  	v3 =	vor.u32 v3, v4  }
0x4b: {  	v4 =	vperm.xlane v3, v0;
	_ =	sdelay $0x1  }
0x4c: {  	v3 =	vperm.xlane v3, v2;
	v4 =	vadd.s32 v1, v4;
	_ =	sdelay $0x1  }
0x4d: {  	v3 =	vadd.s32 v1, v3;
	_ =	sdelay $0x2  }
0x4e: {  	[tilespmem:s20], [sflag:$0x2] =	stream.indirect_vreg.gather [hbm4b:s1+s3], $0x80, v4, vm0, $0xb8;
	[tilespmem:$0xB000] =	vst v63  }
0x4f: {  	_ = 	snop  }
0x50: {  	[tilespmem:s21], [sflag:$0x2] =	stream.indirect_vreg.gather [hbm4b:s1+s3], $0x80, v3, vm0, $0xb8;
	[tilespmem:$0xB000] =	vst v63  }
0x51: {  	v3 =	vld [tilespmem:$0x90];
	_ =	sdelay $0x4  }
0x52: {  	v61 =	vshll.u32 v3, $0x1  }
0x53: {  	v3 =	vand.u32 $0x7, v3;
	v4 =	vand.u32 $0xFFFFFFF0, v61  }
0x54: {  	v3 =	vor.u32 v3, v4  }
0x55: {  	v4 =	vperm.xlane v3, v0;
	_ =	sdelay $0x1  }
0x56: {  	v3 =	vperm.xlane v3, v2;
	v4 =	vadd.s32 v1, v4;
	_ =	sdelay $0x1  }
0x57: {  	v3 =	vadd.s32 v1, v3;
	_ =	sdelay $0x2  }
0x58: {  	[tilespmem:s22], [sflag:$0x2] =	stream.indirect_vreg.gather [hbm4b:s1+s3], $0x80, v4, vm0, $0xb8;
	[tilespmem:$0xB000] =	vst v63  }
0x59: {  	_ = 	snop  }
0x5a: {  	[tilespmem:s23], [sflag:$0x2] =	stream.indirect_vreg.gather [hbm4b:s1+s3], $0x80, v3, vm0, $0xb8;
	[tilespmem:$0xB000] =	vst v63  }
0x5b: {  	v3 =	vld [tilespmem:$0xA0];
	_ =	sdelay $0x4  }
0x5c: {  	v62 =	vshll.u32 v3, $0x1  }
0x5d: {  	v3 =	vand.u32 $0x7, v3;
	v4 =	vand.u32 $0xFFFFFFF0, v62  }
0x5e: {  	v3 =	vor.u32 v3, v4  }
0x5f: {  	v4 =	vperm.xlane v3, v0;
	_ =	sdelay $0x1  }
0x60: {  	v3 =	vperm.xlane v3, v2;
	v4 =	vadd.s32 v1, v4;
	_ =	sdelay $0x1  }
0x61: {  	v3 =	vadd.s32 v1, v3;
	_ =	sdelay $0x2  }
0x62: {  	[tilespmem:s24], [sflag:$0x2] =	stream.indirect_vreg.gather [hbm4b:s1+s3], $0x80, v4, vm0, $0xb8;
	[tilespmem:$0xB000] =	vst v63  }
0x63: {  	_ = 	snop  }
0x64: {  	[tilespmem:s25], [sflag:$0x2] =	stream.indirect_vreg.gather [hbm4b:s1+s3], $0x80, v3, vm0, $0xb8;
	[tilespmem:$0xB000] =	vst v63  }
0x65: {  	v3 =	vld.msk [tilespmem:$0xB0], $0xff;
	_ =	sdelay $0x4  }
0x66: {  	v63 =	vshll.u32 v3, $0x1  }
0x67: {  	v3 =	vand.u32 $0x7, v3;
	v4 =	vand.u32 $0xFFFFFFF0, v63  }
0x68: {  	v3 =	vor.u32 v3, v4  }
0x69: {  	v3 =	vperm.xlane v3, v0;
	_ =	sdelay $0x1  }
0x6a: {  	v3 =	vadd.s32 v1, v3;
	_ =	sdelay $0x3  }
0x6b: {  	s4 =	simm.s32 $0x1B0;
	s0 =	simm.s32 $0xFFFC8E00  }
0x6c: {  	[tilespmem:s26], [sflag:$0x2] =	stream.indirect_vreg.gather [hbm4b:s1+s3], $0x80, v3, vm0, $0xb8;
	[tilespmem:$0xB000] =	vst v63  }
.LBB2_2:
0x6d: {  	_ =	swait.ge [sflag:s28], $0x3800  }
0x6e: {  	s7 =	rddreg [dreg:$0x4]  }
0x6f: {  	[sflag:s28] =	ssyncset.done $0x0;
	s7 =	sadd.s32 s0, s7  }
0x70: {  	[sflag:s28] =	ssyncadd.s32 $0xFFFFC800;
	s17 =	sadd.s32 $0x37900, s7  }
0x71: {  	[hbm4b:s17+s3] =	stream.linear.scatter [tilespmem:s20], [sflag:$0x4], $0x3000, $0x38;
	[tilespmem:$0xB000] =	vst v63  }
0x72: {  	s18 =	sadd.s32 $0x600, s17  }
0x73: {  	[hbm4b:s18+s3] =	stream.linear.scatter [tilespmem:s26], [sflag:$0x4], $0x100, $0x38;
	[tilespmem:$0xB000] =	vst v63  }
0x74: {  	s17 =	sadd.s32 $0x680, s17  }
0x75: {  	[hbm4b:s17+s3] =	stream.linear.scatter [tilespmem:s29], [sflag:$0x4], $0x100, $0x38;
	[tilespmem:$0xB000] =	vst v63  }
0x76: {  	_ =	swait.ge [sflag:s30], $0x3000  }
0x77: {  	[sflag:s30] =	ssyncset.done $0x0  }
0x78: {  	[sflag:s30] =	ssyncadd.s32 $0xFFFFD000  }
0x79: {  	_ =	swait.ge [sflag:s30], $0x200  }
0x7a: {  	[sflag:s30] =	ssyncset.done $0x0  }
0x7b: {  	[sflag:s30] =	ssyncadd.s32 $0xFFFFFE00  }
0x7c: {  	v3 =	vld [tilespmem:s4+$0xFFFFFF50];
	_ =	sdelay $0x4  }
0x7d: {  	v4 =	vshll.u32 v3, $0x1  }
0x7e: {  	v3 =	vand.u32 $0x7, v3;
	v4 =	vand.u32 $0xFFFFFFF0, v4  }
0x7f: {  	v3 =	vor.u32 v3, v4  }
0x80: {  	v4 =	vperm.xlane v3, v0;
	_ =	sdelay $0x1  }
0x81: {  	v3 =	vperm.xlane v3, v2;
	v4 =	vadd.s32 v1, v4;
	_ =	sdelay $0x1  }
0x82: {  	v3 =	vadd.s32 v1, v3;
	_ =	sdelay $0x2  }
0x83: {  	[tilespmem:s9], [sflag:$0x1] =	stream.indirect_vreg.gather [hbm4b:s1+s3], $0x80, v4, vm0, $0xb8;
	[tilespmem:$0xB000] =	vst v63  }
0x84: {  	_ = 	snop  }
0x85: {  	[tilespmem:s10], [sflag:$0x1] =	stream.indirect_vreg.gather [hbm4b:s1+s3], $0x80, v3, vm0, $0xb8;
	[tilespmem:$0xB000] =	vst v63  }
0x86: {  	v3 =	vld [tilespmem:s4+$0xFFFFFF60];
	_ =	sdelay $0x4  }
0x87: {  	v57 =	vshll.u32 v3, $0x1  }
0x88: {  	v3 =	vand.u32 $0x7, v3;
	v4 =	vand.u32 $0xFFFFFFF0, v57  }
0x89: {  	v3 =	vor.u32 v3, v4  }
0x8a: {  	v4 =	vperm.xlane v3, v0;
	_ =	sdelay $0x1  }
0x8b: {  	v3 =	vperm.xlane v3, v2;
	v4 =	vadd.s32 v1, v4;
	_ =	sdelay $0x1  }
0x8c: {  	v3 =	vadd.s32 v1, v3;
	_ =	sdelay $0x2  }
0x8d: {  	[tilespmem:s11], [sflag:$0x1] =	stream.indirect_vreg.gather [hbm4b:s1+s3], $0x80, v4, vm0, $0xb8;
	[tilespmem:$0xB000] =	vst v63  }
0x8e: {  	_ = 	snop  }
0x8f: {  	[tilespmem:s12], [sflag:$0x1] =	stream.indirect_vreg.gather [hbm4b:s1+s3], $0x80, v3, vm0, $0xb8;
	[tilespmem:$0xB000] =	vst v63  }
0x90: {  	v3 =	vld [tilespmem:s4+$0xFFFFFF70];
	_ =	sdelay $0x4  }
0x91: {  	v58 =	vshll.u32 v3, $0x1  }
0x92: {  	v3 =	vand.u32 $0x7, v3;
	v4 =	vand.u32 $0xFFFFFFF0, v58  }
0x93: {  	v3 =	vor.u32 v3, v4  }
0x94: {  	v4 =	vperm.xlane v3, v0;
	_ =	sdelay $0x1  }
0x95: {  	v3 =	vperm.xlane v3, v2;
	v4 =	vadd.s32 v1, v4;
	_ =	sdelay $0x1  }
0x96: {  	v3 =	vadd.s32 v1, v3;
	_ =	sdelay $0x2  }
0x97: {  	[tilespmem:s13], [sflag:$0x1] =	stream.indirect_vreg.gather [hbm4b:s1+s3], $0x80, v4, vm0, $0xb8;
	[tilespmem:$0xB000] =	vst v63  }
0x98: {  	_ = 	snop  }
0x99: {  	[tilespmem:s14], [sflag:$0x1] =	stream.indirect_vreg.gather [hbm4b:s1+s3], $0x80, v3, vm0, $0xb8;
	[tilespmem:$0xB000] =	vst v63  }
0x9a: {  	v3 =	vld.msk [tilespmem:s4+$0xFFFFFF80], $0xff;
	_ =	sdelay $0x4  }
0x9b: {  	v59 =	vshll.u32 v3, $0x1  }
0x9c: {  	v3 =	vand.u32 $0x7, v3;
	v4 =	vand.u32 $0xFFFFFFF0, v59  }
0x9d: {  	v3 =	vor.u32 v3, v4  }
0x9e: {  	v3 =	vperm.xlane v3, v0;
	_ =	sdelay $0x1  }
0x9f: {  	v3 =	vadd.s32 v1, v3;
	_ =	sdelay $0x4  }
0xa0: {  	[tilespmem:s15], [sflag:$0x1] =	stream.indirect_vreg.gather [hbm4b:s1+s3], $0x80, v3, vm0, $0xb8;
	[tilespmem:$0xB000] =	vst v63  }
0xa1: {  	_ =	swait.ge [sflag:s16], $0x3800  }
0xa2: {  	[sflag:s16] =	ssyncset.done $0x0  }
0xa3: {  	s7 =	sadd.s32 $0x38000, s7;
	[sflag:s16] =	ssyncadd.s32 $0xFFFFC800  }
0xa4: {  	[hbm4b:s7+s3] =	stream.linear.scatter [tilespmem:s9], [sflag:$0x3], $0x3000, $0x38;
	[tilespmem:$0xB000] =	vst v63  }
0xa5: {  	s18 =	sadd.s32 $0x600, s7  }
0xa6: {  	[hbm4b:s18+s3] =	stream.linear.scatter [tilespmem:s15], [sflag:$0x3], $0x100, $0x38;
	[tilespmem:$0xB000] =	vst v63  }
0xa7: {  	s7 =	sadd.s32 $0x680, s7  }
0xa8: {  	[hbm4b:s7+s3] =	stream.linear.scatter [tilespmem:s19], [sflag:$0x3], $0x100, $0x38;
	[tilespmem:$0xB000] =	vst v63  }
0xa9: {  	_ =	swait.ge [sflag:s31], $0x3000  }
0xaa: {  	[sflag:s31] =	ssyncset.done $0x0  }
0xab: {  	[sflag:s31] =	ssyncadd.s32 $0xFFFFD000  }
0xac: {  	_ =	swait.ge [sflag:s31], $0x200  }
0xad: {  	[sflag:s31] =	ssyncset.done $0x0  }
0xae: {  	[sflag:s31] =	ssyncadd.s32 $0xFFFFFE00  }
0xaf: {  	v3 =	vld [tilespmem:s4+$0xFFFFFFD0];
	_ =	sdelay $0x4  }
0xb0: {  	v60 =	vshll.u32 v3, $0x1  }
0xb1: {  	v3 =	vand.u32 $0x7, v3;
	v4 =	vand.u32 $0xFFFFFFF0, v60  }
0xb2: {  	v3 =	vor.u32 v3, v4  }
0xb3: {  	v4 =	vperm.xlane v3, v0;
	_ =	sdelay $0x1  }
0xb4: {  	v3 =	vperm.xlane v3, v2;
	v4 =	vadd.s32 v1, v4;
	_ =	sdelay $0x1  }
0xb5: {  	v3 =	vadd.s32 v1, v3;
	_ =	sdelay $0x2  }
0xb6: {  	[tilespmem:s20], [sflag:$0x2] =	stream.indirect_vreg.gather [hbm4b:s1+s3], $0x80, v4, vm0, $0xb8;
	[tilespmem:$0xB000] =	vst v63  }
0xb7: {  	_ = 	snop  }
0xb8: {  	[tilespmem:s21], [sflag:$0x2] =	stream.indirect_vreg.gather [hbm4b:s1+s3], $0x80, v3, vm0, $0xb8;
	[tilespmem:$0xB000] =	vst v63  }
0xb9: {  	v3 =	vld [tilespmem:s4+$0xFFFFFFE0];
	_ =	sdelay $0x4  }
0xba: {  	v61 =	vshll.u32 v3, $0x1  }
0xbb: {  	v3 =	vand.u32 $0x7, v3;
	v4 =	vand.u32 $0xFFFFFFF0, v61  }
0xbc: {  	v3 =	vor.u32 v3, v4  }
0xbd: {  	v4 =	vperm.xlane v3, v0;
	_ =	sdelay $0x1  }
0xbe: {  	v3 =	vperm.xlane v3, v2;
	v4 =	vadd.s32 v1, v4;
	_ =	sdelay $0x1  }
0xbf: {  	v3 =	vadd.s32 v1, v3;
	_ =	sdelay $0x2  }
0xc0: {  	[tilespmem:s22], [sflag:$0x2] =	stream.indirect_vreg.gather [hbm4b:s1+s3], $0x80, v4, vm0, $0xb8;
	[tilespmem:$0xB000] =	vst v63  }
0xc1: {  	_ = 	snop  }
0xc2: {  	[tilespmem:s23], [sflag:$0x2] =	stream.indirect_vreg.gather [hbm4b:s1+s3], $0x80, v3, vm0, $0xb8;
	[tilespmem:$0xB000] =	vst v63  }
0xc3: {  	v3 =	vld [tilespmem:s4+$0xFFFFFFF0];
	_ =	sdelay $0x4  }
0xc4: {  	v62 =	vshll.u32 v3, $0x1  }
0xc5: {  	v3 =	vand.u32 $0x7, v3;
	v4 =	vand.u32 $0xFFFFFFF0, v62  }
0xc6: {  	v3 =	vor.u32 v3, v4  }
0xc7: {  	v4 =	vperm.xlane v3, v0;
	_ =	sdelay $0x1  }
0xc8: {  	v3 =	vperm.xlane v3, v2;
	v4 =	vadd.s32 v1, v4;
	_ =	sdelay $0x1  }
0xc9: {  	v3 =	vadd.s32 v1, v3;
	_ =	sdelay $0x2  }
0xca: {  	[tilespmem:s24], [sflag:$0x2] =	stream.indirect_vreg.gather [hbm4b:s1+s3], $0x80, v4, vm0, $0xb8;
	[tilespmem:$0xB000] =	vst v63  }
0xcb: {  	_ = 	snop  }
0xcc: {  	[tilespmem:s25], [sflag:$0x2] =	stream.indirect_vreg.gather [hbm4b:s1+s3], $0x80, v3, vm0, $0xb8;
	[tilespmem:$0xB000] =	vst v63  }
0xcd: {  	v3 =	vld.msk [tilespmem:s4+$0x0], $0xff;
	_ =	sdelay $0x4  }
0xce: {  	v63 =	vshll.u32 v3, $0x1  }
0xcf: {  	v3 =	vand.u32 $0x7, v3;
	v4 =	vand.u32 $0xFFFFFFF0, v63  }
0xd0: {  	v3 =	vor.u32 v3, v4  }
0xd1: {  	v3 =	vperm.xlane v3, v0;
	_ =	sdelay $0x1  }
0xd2: {  	p0 =	sne.s32 s0, $0xFFFFF200;
	v3 =	vadd.s32 v1, v3  }
.Ltmp0:
0xd3: {  	_ = 	snop;
	(pc) =	sbr.rel @p0 .LBB2_2-.Ltmp0, $3  }
0xd4: {  	_ =	sdelay $0x1  }
0xd5: {  	s0 =	sadd.s32 $0xE00, s0;
	s4 =	sadd.s32 $0x100, s4  }
0xd6: {  	[tilespmem:s26], [sflag:$0x2] =	stream.indirect_vreg.gather [hbm4b:s1+s3], $0x80, v3, vm0, $0xb8;
	[tilespmem:$0xB000] =	vst v63  }
0xd7: {  	_ =	swait.ge [sflag:s28], $0x3800  }
0xd8: {  	[sflag:s28] =	ssyncset.done $0x0  }
0xd9: {  	[sflag:s28] =	ssyncadd.s32 $0xFFFFC800  }
0xda: {  	[hbm4b:s6+s3] =	stream.linear.scatter [tilespmem:s20], [sflag:$0x4], $0x3000, $0x38;
	[tilespmem:$0xB000] =	vst v63  }
0xdb: {  	s0 =	sadd.s32 $0x600, s6  }
0xdc: {  	[hbm4b:s0+s3] =	stream.linear.scatter [tilespmem:s26], [sflag:$0x4], $0x100, $0x38;
	[tilespmem:$0xB000] =	vst v63  }
0xdd: {  	s17 =	sadd.s32 $0x680, s6  }
0xde: {  	[hbm4b:s17+s3] =	stream.linear.scatter [tilespmem:s29], [sflag:$0x4], $0x100, $0x38;
	[tilespmem:$0xB000] =	vst v63  }
0xdf: {  	_ =	swait.ge [sflag:s30], $0x3000  }
0xe0: {  	[sflag:s30] =	ssyncset.done $0x0  }
0xe1: {  	[sflag:s30] =	ssyncadd.s32 $0xFFFFD000  }
0xe2: {  	_ =	swait.ge [sflag:s30], $0x200  }
0xe3: {  	[sflag:s30] =	ssyncset.done $0x0  }
0xe4: {  	[sflag:s30] =	ssyncadd.s32 $0xFFFFFE00  }
0xe5: {  	_ =	swait.ge [sflag:s31], $0x3000  }
0xe6: {  	[sflag:s31] =	ssyncset.done $0x0  }
0xe7: {  	[sflag:s31] =	ssyncadd.s32 $0xFFFFD000  }
0xe8: {  	_ =	swait.ge [sflag:s31], $0x200  }
0xe9: {  	s2 =	sadd.s32 $0x1, s2;
	s18 =	rddreg [dreg:$0x6]  }
0xea: {  	p0 =	sne.s32 s2, s18  }
.Ltmp1:
0xeb: {  	_ = 	snop;
	(pc) =	sbr.rel @p0 .LBB2_1-.Ltmp1, $3  }
0xec: {  	_ =	sdelay $0x1  }
0xed: {  	[sflag:s31] =	ssyncset.done $0x0  }
0xee: {  	[sflag:s31] =	ssyncadd.s32 $0xFFFFFE00  }
0xef: {  	_ =	sfence.sel $0x180000  }
0xf0: {  	[bflag:$0x0] =	sbarrier.arrive $0xFFFF  }
0xf1: {  	_ =	strace $0x90000047  }
0xf2: {  	s0 =	stileid.u32;
	[bflag:$0x2] =	sbarrier.arrive $0xFFFF  }
0xf3: {  	p0 =	sne.s32 s0, $0x0;
	s0 =	rddreg [dreg:$0x3]  }
0xf4: {  	s0 =	sadd.s32 @!p0 $0x100000, s0  }
0xf5: {  	[sflag:s0] =	ssyncadd.tile.s32 @!p0 $0x1;
	_ =	shalt  }
.Lfunc_end2:
_tile_overlayer_lowered:
.L_overlay_start_2:
0xf6: {  	(tag) =	ssettag $0x2  }
0xf7: {  	s0 =	rddreg [dreg:$0x0];
	s2 =	stileid.u32  }
0xf8: {  	s1 =	rddreg [dreg:$0x1];
	p0 =	sne.s32 s2, $0x0  }
0xf9: {  	s3 =	rddreg [dreg:$0x2];
	[bflag:$0x3] =	sbarrier.arrive $0xFFFF;
	s2 =	simm.s32 @!p0 $0x1C05  }
0xfa: {  	[timem:s3], [sflag:s2] =	dma.local @!p0 [hbm:s0], s1  }
0xfb: {  	s0 =	simm.s32 @!p0 $0x5  }
0xfc: {  	_ =	swait.ge @!p0 [sflag:s0], s1  }
0xfd: {  	s1 =	ssub.s32 @!p0 $0x0, s1;
	[sflag:s0] =	ssyncset.done @!p0 $0x0  }
0xfe: {  	[sflag:s0] =	ssyncadd.s32 @!p0 s1  }
0xff: {  	[bflag:$0x3] =	sbarrier.arrive $0xFFFF  }
0x100: {  	_ =	shalt  }

</sc_bundles>
